<compile_context>
chip_gen: v7x
topology: tpu7x:2x2x1
jax: 0.10.2.dev20260603
libtpu: 0.0.44.dev20260713+nightly
codegen_flags: <defaults>
</compile_context>

<pallas_src>
import functools

import jax
import jax.numpy as jnp
from jax import lax
from jax.experimental import pallas as pl
from jax.experimental.pallas import tpu as pltpu
from jax.experimental.pallas import tpu_sc as plsc

N = 1000
E = 500
D = 64
L = 16
EP = 512
NB = 4
EB = 128
NCH = D // L
DEGP = 1008


def _rsqrt16(d):
    i = plsc.bitcast(d, jnp.int32)
    i = jnp.int32(0x5F3759DF) - lax.shift_right_logical(i, 1)
    y = plsc.bitcast(i, jnp.float32)
    for _ in range(3):
        y = y * (1.5 - 0.5 * d * y * y)
    return y


def _build(interpret=False):
    mesh = plsc.VectorSubcoreMesh(
        core_axis_name="c", subcore_axis_name="s", num_cores=2, num_subcores=16
    )

    @functools.partial(
        pl.kernel,
        out_type=jax.ShapeDtypeStruct((EP,), jnp.float32),
        mesh=mesh,
        scratch_types=[
            pltpu.VMEM((N, L), jnp.float32),
            pltpu.VMEM((N, L), jnp.float32),
            pltpu.VMEM((N, L), jnp.float32),
            pltpu.VMEM((N, L), jnp.float32),
            pltpu.VMEM((N * L,), jnp.float32),
            pltpu.VMEM((EP, L), jnp.float32),
            pltpu.VMEM((EP, L), jnp.float32),
            pltpu.VMEM((DEGP,), jnp.float32),
            pltpu.VMEM((EP,), jnp.float32),
            pltpu.VMEM((EP,), jnp.int32),
            pltpu.VMEM((EP,), jnp.int32),
            pltpu.VMEM((4 * L,), jnp.float32),
            pltpu.VMEM((N, L), jnp.float32),
            pltpu.VMEM((EP,), jnp.float32),
            pltpu.VMEM((EP,), jnp.float32),
            pltpu.SemaphoreType.DMA,
            pltpu.SemaphoreType.DMA,
            pltpu.VMEM_SHARED((NCH, 2, N, L), jnp.float32),
            pltpu.VMEM_SHARED((NCH, EP), jnp.float32),
        ],
        compiler_params=pltpu.CompilerParams(needs_layout_passes=False, use_tc_tiling_on_sc=False),
        interpret=interpret,
    )
    def gcn_kernel(ei_hbm, wc_hbm, alpha_hbm, out_hbm,
                   x0v, s1v, s2v, s3v, out_f, rows, ewb,
                   deg, ew, rowi, coli, alv, zv, part, tmp, semS, semZ,
                   xsp, shared):
        cid = lax.axis_index("c")
        sid = lax.axis_index("s")
        active = jnp.logical_and(cid == 0, sid < NCH)

        @pl.when(active)
        def _work():
            chunk = sid
            pltpu.sync_copy(ei_hbm.at[0], rowi)
            pltpu.sync_copy(ei_hbm.at[1], coli)
            pltpu.sync_copy(wc_hbm.at[chunk], x0v)
            pltpu.sync_copy(wc_hbm.at[chunk], xsp.at[chunk, 0])
            pltpu.sync_copy(alpha_hbm, alv)

            zero16 = jnp.zeros((L,), jnp.float32)
            iota = lax.iota(jnp.int32, L)

            @plsc.parallel_loop(0, N, unroll=8)
            def zero_zv(i):
                zv[i, :] = zero16

            pltpu.sync_copy(zv, xsp.at[chunk, 1])

            @plsc.parallel_loop(0, DEGP // L, unroll=4)
            def zero_deg(i):
                deg[pl.ds(i * L, L)] = zero16

            @plsc.parallel_loop(0, EP // L, unroll=2)
            def deg_scatter(g):
                cv = coli[pl.ds(g * L, L)]
                valid = jnp.where(g * L + iota < E, 1.0, 0.0)
                plsc.addupdate_scatter(deg, [cv], valid)

            @plsc.parallel_loop(0, DEGP // L, unroll=2)
            def inv_sqrt(i):
                d = deg[pl.ds(i * L, L)]
                y = _rsqrt16(d)
                deg[pl.ds(i * L, L)] = jnp.where(d > 0.0, y, 0.0)

            @plsc.parallel_loop(0, EP // L, unroll=2)
            def edge_w(g):
                rv = rowi[pl.ds(g * L, L)]
                cv = coli[pl.ds(g * L, L)]
                a = plsc.load_gather(deg, [rv])
                b = plsc.load_gather(deg, [cv])
                valid = jnp.where(g * L + iota < E, 1.0, 0.0)
                ew[pl.ds(g * L, L)] = a * b * valid

            @plsc.parallel_loop(0, EP // L)
            def bcast(g):
                ewg = ew[pl.ds(g * L, L)]
                for t in range(L):
                    ewb[g * L + t, :] = jnp.broadcast_to(ewg[t], (L,))

            for k, skv, zsv in ((1, s1v, s2v), (2, s2v, s3v), (3, s3v, None)):
                srcr = (k - 1) % 2
                dstr = k % 2
                pltpu.sync_copy(xsp.at[chunk, srcr].at[rowi], rows)

                @plsc.parallel_loop(0, EP, unroll=4)
                def scale(e):
                    rows[e, :] = rows[e, :] * ewb[e, :]

                pltpu.sync_copy(rows, xsp.at[chunk, dstr].at[coli],
                                add=True)

                pltpu.sync_copy(xsp.at[chunk, dstr], skv)
                if zsv is not None:
                    pltpu.sync_copy(zsv, xsp.at[chunk, srcr])

            a0 = alv[pl.ds(0, L)]
            a1 = alv[pl.ds(L, L)]
            a2 = alv[pl.ds(2 * L, L)]
            a3 = alv[pl.ds(3 * L, L)]

            @plsc.parallel_loop(0, N, unroll=2)
            def combine(i):
                out_f[pl.ds(i * L, L)] = (a0 * x0v[i, :] + a1 * s1v[i, :]
                                          + a2 * s2v[i, :] + a3 * s3v[i, :])

            @plsc.parallel_loop(0, EP // L)
            def dot(g):
                rv16 = rowi[pl.ds(g * L, L)] * L
                cv16 = coli[pl.ds(g * L, L)] * L
                acc = zero16
                for d in range(L):
                    acc = acc + (plsc.load_gather(out_f, [rv16 + d])
                                 * plsc.load_gather(out_f, [cv16 + d]))
                part[pl.ds(g * L, L)] = acc

            pltpu.sync_copy(part, shared.at[chunk])

        plsc.subcore_barrier()

        @pl.when(jnp.logical_and(cid == 0, sid == 0))
        def _reduce():
            for t in range(1, NCH):
                pltpu.sync_copy(shared.at[t], tmp)

                @plsc.parallel_loop(0, EP // L, unroll=2)
                def accum(g, t=t):
                    part[pl.ds(g * L, L)] = (part[pl.ds(g * L, L)]
                                             + tmp[pl.ds(g * L, L)])
            pltpu.sync_copy(part, out_hbm)

    return gcn_kernel


_gcn_cache = []


def _gcn(*args):
    if not _gcn_cache:
        _gcn_cache.append(_build())
    return _gcn_cache[0](*args)


def kernel(L_edge_index_, L_self_modules_embedding_parameters_weight_,
           L_self_buffers_alpha_):
    ei = L_edge_index_
    w = L_self_modules_embedding_parameters_weight_
    alpha = L_self_buffers_alpha_
    ei_p = jnp.pad(ei.astype(jnp.int32), ((0, 0), (0, EP - E)))
    wc = w.reshape(N, NCH, L).transpose(1, 0, 2)
    alpha_p = jnp.tile(alpha.astype(jnp.float32)[:, None], (1, L)).reshape(
        4 * L)
    res = _gcn(ei_p, wc, alpha_p)
    return (res[:E],)

# --- scband reference (transcript-rebuilt; emitter-appended) ---
"""Pipeline reference for scband-graph-module-59012850647686 (READ-ONLY COPY).

The authoritative reference and input builder live on the scoring server;
editing this copy changes nothing except your own understanding.
"""

import jax, jax.numpy as jnp
import numpy as np

N_NODES = 1000
N_EDGES = 500
D = 64

def setup_inputs(seed: int = 0) -> dict:
    key = jax.random.key(seed)
    k1, k2, k3 = jax.random.split(key, 3)
    edge_index = jax.random.randint(k1, (2, N_EDGES), 0, N_NODES, dtype=jnp.int32)
    weight = jax.random.normal(k2, (N_NODES, D), dtype=jnp.float32)
    alpha = jax.random.uniform(k3, (4,), dtype=jnp.float32)
    return {
        "L_edge_index_": edge_index,
        "L_self_modules_embedding_parameters_weight_": weight,
        "L_self_buffers_alpha_": alpha,
    }

def _propagate(x, row, col):
    # symmetric GCN normalization with edge_weight = ones
    edge_weight = jnp.ones((N_EDGES,), dtype=jnp.float32)
    deg = jnp.zeros((N_NODES,), dtype=jnp.float32).at[col].add(edge_weight)
    deg_inv_sqrt = deg ** (-0.5)
    deg_inv_sqrt = jnp.where(jnp.isinf(deg_inv_sqrt), 0.0, deg_inv_sqrt)
    ew = deg_inv_sqrt[row] * edge_weight * deg_inv_sqrt[col]
    x_j = jnp.take(x, row, axis=0)
    msg = ew[:, None] * x_j
    out = jnp.zeros((N_NODES, D), dtype=jnp.float32).at[col].add(msg)
    return out

def reference(L_edge_index_, L_self_modules_embedding_parameters_weight_, L_self_buffers_alpha_):
    ei = L_edge_index_
    w = L_self_modules_embedding_parameters_weight_
    alpha = L_self_buffers_alpha_
    row = ei[0]
    col = ei[1]
    out = w * alpha[0]
    x = w
    for layer in range(3):
        x = _propagate(x, row, col)
        out = out + x * alpha[layer + 1]
    out_src = jnp.take(out, row, axis=0)
    out_dst = jnp.take(out, col, axis=0)
    sum_1 = (out_src * out_dst).sum(axis=-1)
    return (sum_1,)

if __name__ == "__main__":
    import jax
    _d = setup_inputs()
    print(jax.jit(kernel)(*tuple(_d.values())))

</pallas_src>

<mosaic_0001>
#map = affine_map<(d0, d1) -> (0, 0)>
#map1 = affine_map<(d0, d1) -> (0, 0, 0)>
#map2 = affine_map<(d0, d1) -> (0)>
module attributes {stable_mosaic.version = 14 : i64} {
  func.func @gcn_kernel(%arg0: i32, %arg1: i32, %arg2: memref<2x512xi32, #tpu.memory_space<hbm>>, %arg3: memref<4x1000x16xf32, #tpu.memory_space<hbm>>, %arg4: memref<64xf32, #tpu.memory_space<hbm>>, %arg5: memref<512xf32, #tpu.memory_space<hbm>>, %arg6: memref<1000x16xf32, #tpu.memory_space<vmem>>, %arg7: memref<1000x16xf32, #tpu.memory_space<vmem>>, %arg8: memref<1000x16xf32, #tpu.memory_space<vmem>>, %arg9: memref<1000x16xf32, #tpu.memory_space<vmem>>, %arg10: memref<16000xf32, #tpu.memory_space<vmem>>, %arg11: memref<512x16xf32, #tpu.memory_space<vmem>>, %arg12: memref<512x16xf32, #tpu.memory_space<vmem>>, %arg13: memref<1008xf32, #tpu.memory_space<vmem>>, %arg14: memref<512xf32, #tpu.memory_space<vmem>>, %arg15: memref<512xi32, #tpu.memory_space<vmem>>, %arg16: memref<512xi32, #tpu.memory_space<vmem>>, %arg17: memref<64xf32, #tpu.memory_space<vmem>>, %arg18: memref<1000x16xf32, #tpu.memory_space<vmem>>, %arg19: memref<512xf32, #tpu.memory_space<vmem>>, %arg20: memref<512xf32, #tpu.memory_space<vmem>>, %arg21: memref<!tpu.dma_semaphore, #tpu.memory_space<semaphore_mem>>, %arg22: memref<!tpu.dma_semaphore, #tpu.memory_space<semaphore_mem>>, %arg23: memref<4x2x1000x16xf32, #tpu.memory_space<vmem_shared>>, %arg24: memref<4x512xf32, #tpu.memory_space<vmem_shared>>) attributes {dimension_semantics = [#tpu.dimension_semantics<core_parallel>, #tpu.dimension_semantics<subcore_parallel>], iteration_bounds = array<i64: 2, 16>, scalar_prefetch = 0 : i64, scratch_operands = 19 : i64, tpu.core_type = #tpu.core_type<sc_vector_subcore>, window_params = [{transform_indices = #map}, {transform_indices = #map1}, {transform_indices = #map2}, {transform_indices = #map2}]} {
    %eq3A = arith.constant 0 : i32
    %eq3A_0 = arith.cmpi eq, %arg0, %eq3A : i32
    %lt3A = arith.constant 4 : i32
    %lt3A_1 = arith.cmpi slt, %arg1, %lt3A : i32
    %and3A = arith.andi %eq3A_0, %lt3A_1 : i1
    %convert_element_type3A = arith.extui %and3A : i1 to i32
    %cond3A = arith.constant 0 : i32
    %cond3A_2 = arith.cmpi ne, %convert_element_type3A, %cond3A : i32
    scf.if %cond3A_2 {
      %run_scoped3A = arith.constant 0 : i32
      "tpu.region"() ({
        %run_scoped3A_65 = tpu.sem_alloc : memref<!tpu.dma_semaphore, #tpu.memory_space<semaphore_mem>>
        %dma_start3A = arith.constant 0 : i32
        %dma_start3A_66 = tpu.memref_slice %arg2[%run_scoped3A, %dma_start3A] : memref<2x512xi32, #tpu.memory_space<hbm>> -> memref<1x512xi32, #tpu.memory_space<hbm>>
        %dma_start3A_67 = tpu.memref_squeeze %dma_start3A_66 : memref<1x512xi32, #tpu.memory_space<hbm>> -> memref<512xi32, #tpu.memory_space<hbm>>
        %dma_start3A_68 = arith.constant 0 : i32
        %dma_start3A_69 = tpu.memref_slice %arg2[%run_scoped3A, %dma_start3A_68] : memref<2x512xi32, #tpu.memory_space<hbm>> -> memref<1x512xi32, #tpu.memory_space<hbm>>
        %dma_start3A_70 = tpu.memref_squeeze %dma_start3A_69 : memref<1x512xi32, #tpu.memory_space<hbm>> -> memref<512xi32, #tpu.memory_space<hbm>>
        tpu.enqueue_dma source(%dma_start3A_70 : memref<512xi32, #tpu.memory_space<hbm>>) target(%arg15 : memref<512xi32, #tpu.memory_space<vmem>>) target_semaphore(%run_scoped3A_65 : memref<!tpu.dma_semaphore, #tpu.memory_space<semaphore_mem>>)
        %dma_wait3A = arith.constant 0 : i32
        %dma_wait3A_71 = tpu.memref_slice %arg2[%run_scoped3A, %dma_wait3A] : memref<2x512xi32, #tpu.memory_space<hbm>> -> memref<1x512xi32, #tpu.memory_space<hbm>>
        %dma_wait3A_72 = tpu.memref_squeeze %dma_wait3A_71 : memref<1x512xi32, #tpu.memory_space<hbm>> -> memref<512xi32, #tpu.memory_space<hbm>>
        %dma_wait3A_73 = arith.constant 0 : i32
        %dma_wait3A_74 = tpu.memref_slice %arg2[%run_scoped3A, %dma_wait3A_73] : memref<2x512xi32, #tpu.memory_space<hbm>> -> memref<1x512xi32, #tpu.memory_space<hbm>>
        %dma_wait3A_75 = tpu.memref_squeeze %dma_wait3A_74 : memref<1x512xi32, #tpu.memory_space<hbm>> -> memref<512xi32, #tpu.memory_space<hbm>>
        tpu.wait_dma2 semaphore(%run_scoped3A_65 : memref<!tpu.dma_semaphore, #tpu.memory_space<semaphore_mem>>) src(%dma_wait3A_75 : memref<512xi32, #tpu.memory_space<hbm>>) dst(%arg15 : memref<512xi32, #tpu.memory_space<vmem>>)
        tpu.yield
      }) : () -> ()
      %run_scoped3A_11 = arith.constant 1 : i32
      "tpu.region"() ({
        %run_scoped3A_65 = tpu.sem_alloc : memref<!tpu.dma_semaphore, #tpu.memory_space<semaphore_mem>>
        %dma_start3A = arith.constant 0 : i32
        %dma_start3A_66 = tpu.memref_slice %arg2[%run_scoped3A_11, %dma_start3A] : memref<2x512xi32, #tpu.memory_space<hbm>> -> memref<1x512xi32, #tpu.memory_space<hbm>>
        %dma_start3A_67 = tpu.memref_squeeze %dma_start3A_66 : memref<1x512xi32, #tpu.memory_space<hbm>> -> memref<512xi32, #tpu.memory_space<hbm>>
        %dma_start3A_68 = arith.constant 0 : i32
        %dma_start3A_69 = tpu.memref_slice %arg2[%run_scoped3A_11, %dma_start3A_68] : memref<2x512xi32, #tpu.memory_space<hbm>> -> memref<1x512xi32, #tpu.memory_space<hbm>>
        %dma_start3A_70 = tpu.memref_squeeze %dma_start3A_69 : memref<1x512xi32, #tpu.memory_space<hbm>> -> memref<512xi32, #tpu.memory_space<hbm>>
        tpu.enqueue_dma source(%dma_start3A_70 : memref<512xi32, #tpu.memory_space<hbm>>) target(%arg16 : memref<512xi32, #tpu.memory_space<vmem>>) target_semaphore(%run_scoped3A_65 : memref<!tpu.dma_semaphore, #tpu.memory_space<semaphore_mem>>)
        %dma_wait3A = arith.constant 0 : i32
        %dma_wait3A_71 = tpu.memref_slice %arg2[%run_scoped3A_11, %dma_wait3A] : memref<2x512xi32, #tpu.memory_space<hbm>> -> memref<1x512xi32, #tpu.memory_space<hbm>>
        %dma_wait3A_72 = tpu.memref_squeeze %dma_wait3A_71 : memref<1x512xi32, #tpu.memory_space<hbm>> -> memref<512xi32, #tpu.memory_space<hbm>>
        %dma_wait3A_73 = arith.constant 0 : i32
        %dma_wait3A_74 = tpu.memref_slice %arg2[%run_scoped3A_11, %dma_wait3A_73] : memref<2x512xi32, #tpu.memory_space<hbm>> -> memref<1x512xi32, #tpu.memory_space<hbm>>
        %dma_wait3A_75 = tpu.memref_squeeze %dma_wait3A_74 : memref<1x512xi32, #tpu.memory_space<hbm>> -> memref<512xi32, #tpu.memory_space<hbm>>
        tpu.wait_dma2 semaphore(%run_scoped3A_65 : memref<!tpu.dma_semaphore, #tpu.memory_space<semaphore_mem>>) src(%dma_wait3A_75 : memref<512xi32, #tpu.memory_space<hbm>>) dst(%arg16 : memref<512xi32, #tpu.memory_space<vmem>>)
        tpu.yield
      }) : () -> ()
      "tpu.region"() ({
        %run_scoped3A_65 = tpu.sem_alloc : memref<!tpu.dma_semaphore, #tpu.memory_space<semaphore_mem>>
        %dma_start3A = arith.constant 0 : i32
        %dma_start3A_66 = arith.constant 0 : i32
        %dma_start3A_67 = tpu.memref_slice %arg3[%arg1, %dma_start3A, %dma_start3A_66] : memref<4x1000x16xf32, #tpu.memory_space<hbm>> -> memref<1x1000x16xf32, #tpu.memory_space<hbm>>
        %dma_start3A_68 = tpu.memref_squeeze %dma_start3A_67 : memref<1x1000x16xf32, #tpu.memory_space<hbm>> -> memref<1000x16xf32, #tpu.memory_space<hbm>>
        %dma_start3A_69 = arith.constant 0 : i32
        %dma_start3A_70 = arith.constant 0 : i32
        %dma_start3A_71 = tpu.memref_slice %arg3[%arg1, %dma_start3A_69, %dma_start3A_70] : memref<4x1000x16xf32, #tpu.memory_space<hbm>> -> memref<1x1000x16xf32, #tpu.memory_space<hbm>>
        %dma_start3A_72 = tpu.memref_squeeze %dma_start3A_71 : memref<1x1000x16xf32, #tpu.memory_space<hbm>> -> memref<1000x16xf32, #tpu.memory_space<hbm>>
        tpu.enqueue_dma source(%dma_start3A_72 : memref<1000x16xf32, #tpu.memory_space<hbm>>) target(%arg6 : memref<1000x16xf32, #tpu.memory_space<vmem>>) target_semaphore(%run_scoped3A_65 : memref<!tpu.dma_semaphore, #tpu.memory_space<semaphore_mem>>)
        %dma_wait3A = arith.constant 0 : i32
        %dma_wait3A_73 = arith.constant 0 : i32
        %dma_wait3A_74 = tpu.memref_slice %arg3[%arg1, %dma_wait3A, %dma_wait3A_73] : memref<4x1000x16xf32, #tpu.memory_space<hbm>> -> memref<1x1000x16xf32, #tpu.memory_space<hbm>>
        %dma_wait3A_75 = tpu.memref_squeeze %dma_wait3A_74 : memref<1x1000x16xf32, #tpu.memory_space<hbm>> -> memref<1000x16xf32, #tpu.memory_space<hbm>>
        %dma_wait3A_76 = arith.constant 0 : i32
        %dma_wait3A_77 = arith.constant 0 : i32
        %dma_wait3A_78 = tpu.memref_slice %arg3[%arg1, %dma_wait3A_76, %dma_wait3A_77] : memref<4x1000x16xf32, #tpu.memory_space<hbm>> -> memref<1x1000x16xf32, #tpu.memory_space<hbm>>
        %dma_wait3A_79 = tpu.memref_squeeze %dma_wait3A_78 : memref<1x1000x16xf32, #tpu.memory_space<hbm>> -> memref<1000x16xf32, #tpu.memory_space<hbm>>
        tpu.wait_dma2 semaphore(%run_scoped3A_65 : memref<!tpu.dma_semaphore, #tpu.memory_space<semaphore_mem>>) src(%dma_wait3A_79 : memref<1000x16xf32, #tpu.memory_space<hbm>>) dst(%arg6 : memref<1000x16xf32, #tpu.memory_space<vmem>>)
        tpu.yield
      }) : () -> ()
      %run_scoped3A_12 = arith.constant 0 : i32
      "tpu.region"() ({
        %run_scoped3A_65 = tpu.sem_alloc : memref<!tpu.dma_semaphore, #tpu.memory_space<semaphore_mem>>
        %dma_start3A = arith.constant 0 : i32
        %dma_start3A_66 = arith.constant 0 : i32
        %dma_start3A_67 = tpu.memref_slice %arg23[%arg1, %run_scoped3A_12, %dma_start3A, %dma_start3A_66] : memref<4x2x1000x16xf32, #tpu.memory_space<vmem_shared>> -> memref<1x1x1000x16xf32, #tpu.memory_space<vmem_shared>>
        %dma_start3A_68 = tpu.memref_squeeze %dma_start3A_67 : memref<1x1x1000x16xf32, #tpu.memory_space<vmem_shared>> -> memref<1000x16xf32, #tpu.memory_space<vmem_shared>>
        %dma_start3A_69 = arith.constant 0 : i32
        %dma_start3A_70 = arith.constant 0 : i32
        %dma_start3A_71 = tpu.memref_slice %arg3[%arg1, %dma_start3A_69, %dma_start3A_70] : memref<4x1000x16xf32, #tpu.memory_space<hbm>> -> memref<1x1000x16xf32, #tpu.memory_space<hbm>>
        %dma_start3A_72 = tpu.memref_squeeze %dma_start3A_71 : memref<1x1000x16xf32, #tpu.memory_space<hbm>> -> memref<1000x16xf32, #tpu.memory_space<hbm>>
        tpu.enqueue_dma source(%dma_start3A_72 : memref<1000x16xf32, #tpu.memory_space<hbm>>) target(%dma_start3A_68 : memref<1000x16xf32, #tpu.memory_space<vmem_shared>>) target_semaphore(%run_scoped3A_65 : memref<!tpu.dma_semaphore, #tpu.memory_space<semaphore_mem>>)
        %dma_wait3A = arith.constant 0 : i32
        %dma_wait3A_73 = arith.constant 0 : i32
        %dma_wait3A_74 = tpu.memref_slice %arg23[%arg1, %run_scoped3A_12, %dma_wait3A, %dma_wait3A_73] : memref<4x2x1000x16xf32, #tpu.memory_space<vmem_shared>> -> memref<1x1x1000x16xf32, #tpu.memory_space<vmem_shared>>
        %dma_wait3A_75 = tpu.memref_squeeze %dma_wait3A_74 : memref<1x1x1000x16xf32, #tpu.memory_space<vmem_shared>> -> memref<1000x16xf32, #tpu.memory_space<vmem_shared>>
        %dma_wait3A_76 = arith.constant 0 : i32
        %dma_wait3A_77 = arith.constant 0 : i32
        %dma_wait3A_78 = tpu.memref_slice %arg3[%arg1, %dma_wait3A_76, %dma_wait3A_77] : memref<4x1000x16xf32, #tpu.memory_space<hbm>> -> memref<1x1000x16xf32, #tpu.memory_space<hbm>>
        %dma_wait3A_79 = tpu.memref_squeeze %dma_wait3A_78 : memref<1x1000x16xf32, #tpu.memory_space<hbm>> -> memref<1000x16xf32, #tpu.memory_space<hbm>>
        tpu.wait_dma2 semaphore(%run_scoped3A_65 : memref<!tpu.dma_semaphore, #tpu.memory_space<semaphore_mem>>) src(%dma_wait3A_79 : memref<1000x16xf32, #tpu.memory_space<hbm>>) dst(%dma_wait3A_75 : memref<1000x16xf32, #tpu.memory_space<vmem_shared>>)
        tpu.yield
      }) : () -> ()
      "tpu.region"() ({
        %run_scoped3A_65 = tpu.sem_alloc : memref<!tpu.dma_semaphore, #tpu.memory_space<semaphore_mem>>
        tpu.enqueue_dma source(%arg4 : memref<64xf32, #tpu.memory_space<hbm>>) target(%arg17 : memref<64xf32, #tpu.memory_space<vmem>>) target_semaphore(%run_scoped3A_65 : memref<!tpu.dma_semaphore, #tpu.memory_space<semaphore_mem>>)
        tpu.wait_dma2 semaphore(%run_scoped3A_65 : memref<!tpu.dma_semaphore, #tpu.memory_space<semaphore_mem>>) src(%arg4 : memref<64xf32, #tpu.memory_space<hbm>>) dst(%arg17 : memref<64xf32, #tpu.memory_space<vmem>>)
        tpu.yield
      }) : () -> ()
      %broadcast_in_dim3A = arith.constant 0.000000e+00 : f32
      %broadcast_in_dim3A_13 = vector.broadcast %broadcast_in_dim3A : f32 to vector<16xf32>
      %iota3A = tpu.iota {dimensions = array<i32: 0>} : vector<16xi32>
      %parallel_loop3A = arith.constant 0 : i32
      %parallel_loop3A_14 = arith.constant 1000 : i32
      %parallel_loop3A_15 = arith.constant 1 : i32
      scf.for %parallel_loop3A_65 = %parallel_loop3A to %parallel_loop3A_14 step %parallel_loop3A_15  : i32 {
        %parallel_loop3A_66 = arith.index_cast %parallel_loop3A_65 : i32 to index
        %parallel_loop3A_67 = arith.constant 0 : index
        %parallel_loop3A_68 = tpu.vector_load %arg18[%parallel_loop3A_66, %parallel_loop3A_67] {strides = array<i32>} : memref<1000x16xf32, #tpu.memory_space<vmem>>, vector<16xf32>,
        tpu.vector_store %arg18[%parallel_loop3A_66, %parallel_loop3A_67], %broadcast_in_dim3A_13 {strides = array<i32>} : memref<1000x16xf32, #tpu.memory_space<vmem>>, vector<16xf32>,
      } {sc.loop_unroll_factor = 8 : i64, sc.parallel_access}
      %run_scoped3A_16 = arith.constant 1 : i32
      "tpu.region"() ({
        %run_scoped3A_65 = tpu.sem_alloc : memref<!tpu.dma_semaphore, #tpu.memory_space<semaphore_mem>>
        %dma_start3A = arith.constant 0 : i32
        %dma_start3A_66 = arith.constant 0 : i32
        %dma_start3A_67 = tpu.memref_slice %arg23[%arg1, %run_scoped3A_16, %dma_start3A, %dma_start3A_66] : memref<4x2x1000x16xf32, #tpu.memory_space<vmem_shared>> -> memref<1x1x1000x16xf32, #tpu.memory_space<vmem_shared>>
        %dma_start3A_68 = tpu.memref_squeeze %dma_start3A_67 : memref<1x1x1000x16xf32, #tpu.memory_space<vmem_shared>> -> memref<1000x16xf32, #tpu.memory_space<vmem_shared>>
        %dma_start3A_69 = arith.constant 0 : i32
        %dma_start3A_70 = arith.constant 0 : i32
        %dma_start3A_71 = tpu.memref_slice %arg23[%arg1, %run_scoped3A_16, %dma_start3A_69, %dma_start3A_70] : memref<4x2x1000x16xf32, #tpu.memory_space<vmem_shared>> -> memref<1x1x1000x16xf32, #tpu.memory_space<vmem_shared>>
        %dma_start3A_72 = tpu.memref_squeeze %dma_start3A_71 : memref<1x1x1000x16xf32, #tpu.memory_space<vmem_shared>> -> memref<1000x16xf32, #tpu.memory_space<vmem_shared>>
        tpu.enqueue_dma source(%arg18 : memref<1000x16xf32, #tpu.memory_space<vmem>>) target(%dma_start3A_72 : memref<1000x16xf32, #tpu.memory_space<vmem_shared>>) target_semaphore(%run_scoped3A_65 : memref<!tpu.dma_semaphore, #tpu.memory_space<semaphore_mem>>)
        %dma_wait3A = arith.constant 0 : i32
        %dma_wait3A_73 = arith.constant 0 : i32
        %dma_wait3A_74 = tpu.memref_slice %arg23[%arg1, %run_scoped3A_16, %dma_wait3A, %dma_wait3A_73] : memref<4x2x1000x16xf32, #tpu.memory_space<vmem_shared>> -> memref<1x1x1000x16xf32, #tpu.memory_space<vmem_shared>>
        %dma_wait3A_75 = tpu.memref_squeeze %dma_wait3A_74 : memref<1x1x1000x16xf32, #tpu.memory_space<vmem_shared>> -> memref<1000x16xf32, #tpu.memory_space<vmem_shared>>
        %dma_wait3A_76 = arith.constant 0 : i32
        %dma_wait3A_77 = arith.constant 0 : i32
        %dma_wait3A_78 = tpu.memref_slice %arg23[%arg1, %run_scoped3A_16, %dma_wait3A_76, %dma_wait3A_77] : memref<4x2x1000x16xf32, #tpu.memory_space<vmem_shared>> -> memref<1x1x1000x16xf32, #tpu.memory_space<vmem_shared>>
        %dma_wait3A_79 = tpu.memref_squeeze %dma_wait3A_78 : memref<1x1x1000x16xf32, #tpu.memory_space<vmem_shared>> -> memref<1000x16xf32, #tpu.memory_space<vmem_shared>>
        tpu.wait_dma2 semaphore(%run_scoped3A_65 : memref<!tpu.dma_semaphore, #tpu.memory_space<semaphore_mem>>) src(%arg18 : memref<1000x16xf32, #tpu.memory_space<vmem>>) dst(%dma_wait3A_79 : memref<1000x16xf32, #tpu.memory_space<vmem_shared>>)
        tpu.yield
      }) : () -> ()
      %parallel_loop3A_17 = arith.constant 0 : i32
      %parallel_loop3A_18 = arith.constant 63 : i32
      %parallel_loop3A_19 = arith.constant 1 : i32
      scf.for %parallel_loop3A_65 = %parallel_loop3A_17 to %parallel_loop3A_18 step %parallel_loop3A_19  : i32 {
        %parallel_loop3A_66 = arith.constant 16 : i32
        %parallel_loop3A_67 = arith.muli %parallel_loop3A_65, %parallel_loop3A_66 : i32
        %parallel_loop3A_68 = arith.index_cast %parallel_loop3A_67 : i32 to index
        %parallel_loop3A_69 = tpu.vector_load %arg13[%parallel_loop3A_68] {strides = array<i32>} : memref<1008xf32, #tpu.memory_space<vmem>>, vector<16xf32>,
        tpu.vector_store %arg13[%parallel_loop3A_68], %broadcast_in_dim3A_13 {strides = array<i32>} : memref<1008xf32, #tpu.memory_space<vmem>>, vector<16xf32>,
      } {sc.loop_unroll_factor = 4 : i64, sc.parallel_access}
      %parallel_loop3A_20 = arith.constant 0 : i32
      %parallel_loop3A_21 = arith.constant 32 : i32
      %parallel_loop3A_22 = arith.constant 1 : i32
      scf.for %parallel_loop3A_65 = %parallel_loop3A_20 to %parallel_loop3A_21 step %parallel_loop3A_22  : i32 {
        %parallel_loop3A_66 = arith.constant 16 : i32
        %parallel_loop3A_67 = arith.muli %parallel_loop3A_65, %parallel_loop3A_66 : i32
        %parallel_loop3A_68 = arith.index_cast %parallel_loop3A_67 : i32 to index
        %parallel_loop3A_69 = tpu.vector_load %arg16[%parallel_loop3A_68] {strides = array<i32>} : memref<512xi32, #tpu.memory_space<vmem>>, vector<16xi32>,
        %parallel_loop3A_70 = arith.constant 16 : i32
        %parallel_loop3A_71 = arith.muli %parallel_loop3A_65, %parallel_loop3A_70 : i32
        %parallel_loop3A_72 = vector.broadcast %parallel_loop3A_71 : i32 to vector<16xi32>
        %parallel_loop3A_73 = arith.addi %parallel_loop3A_72, %iota3A : vector<16xi32>
        %parallel_loop3A_74 = arith.constant 500 : i32
        %parallel_loop3A_75 = vector.broadcast %parallel_loop3A_74 : i32 to vector<16xi32>
        %parallel_loop3A_76 = arith.cmpi slt, %parallel_loop3A_73, %parallel_loop3A_75 : vector<16xi32>
        %parallel_loop3A_77 = arith.constant 1.000000e+00 : f32
        %parallel_loop3A_78 = arith.constant 0.000000e+00 : f32
        %parallel_loop3A_79 = vector.broadcast %parallel_loop3A_77 : f32 to vector<16xf32>
        %parallel_loop3A_80 = vector.broadcast %parallel_loop3A_78 : f32 to vector<16xf32>
        %parallel_loop3A_81 = arith.select %parallel_loop3A_76, %parallel_loop3A_79, %parallel_loop3A_80 : vector<16xi1>, vector<16xf32>
        tpu.vector_store_idx %arg13[%parallel_loop3A_69], %parallel_loop3A_81 {add = true} : memref<1008xf32, #tpu.memory_space<vmem>>[vector<16xi32>], vector<16xf32>,
      } {sc.loop_unroll_factor = 2 : i64, sc.parallel_access}
      %parallel_loop3A_23 = arith.constant 0 : i32
      %parallel_loop3A_24 = arith.constant 63 : i32
      %parallel_loop3A_25 = arith.constant 1 : i32
      scf.for %parallel_loop3A_65 = %parallel_loop3A_23 to %parallel_loop3A_24 step %parallel_loop3A_25  : i32 {
        %parallel_loop3A_66 = arith.constant 16 : i32
        %parallel_loop3A_67 = arith.muli %parallel_loop3A_65, %parallel_loop3A_66 : i32
        %parallel_loop3A_68 = arith.index_cast %parallel_loop3A_67 : i32 to index
        %parallel_loop3A_69 = tpu.vector_load %arg13[%parallel_loop3A_68] {strides = array<i32>} : memref<1008xf32, #tpu.memory_space<vmem>>, vector<16xf32>,
        %parallel_loop3A_70 = vector.bitcast %parallel_loop3A_69 : vector<16xf32> to vector<16xi32>
        %parallel_loop3A_71 = arith.constant 1 : i32
        %parallel_loop3A_72 = vector.broadcast %parallel_loop3A_71 : i32 to vector<16xi32>
        %parallel_loop3A_73 = arith.shrui %parallel_loop3A_70, %parallel_loop3A_72 : vector<16xi32>
        %parallel_loop3A_74 = arith.constant 1597463007 : i32
        %parallel_loop3A_75 = vector.broadcast %parallel_loop3A_74 : i32 to vector<16xi32>
        %parallel_loop3A_76 = arith.subi %parallel_loop3A_75, %parallel_loop3A_73 : vector<16xi32>
        %parallel_loop3A_77 = vector.bitcast %parallel_loop3A_76 : vector<16xi32> to vector<16xf32>
        %parallel_loop3A_78 = arith.constant 5.000000e-01 : f32
        %parallel_loop3A_79 = vector.broadcast %parallel_loop3A_78 : f32 to vector<16xf32>
        %parallel_loop3A_80 = arith.mulf %parallel_loop3A_79, %parallel_loop3A_69 : vector<16xf32>
        %parallel_loop3A_81 = arith.mulf %parallel_loop3A_80, %parallel_loop3A_77 : vector<16xf32>
        %parallel_loop3A_82 = arith.mulf %parallel_loop3A_81, %parallel_loop3A_77 : vector<16xf32>
        %parallel_loop3A_83 = arith.constant 1.500000e+00 : f32
        %parallel_loop3A_84 = vector.broadcast %parallel_loop3A_83 : f32 to vector<16xf32>
        %parallel_loop3A_85 = arith.subf %parallel_loop3A_84, %parallel_loop3A_82 : vector<16xf32>
        %parallel_loop3A_86 = arith.mulf %parallel_loop3A_77, %parallel_loop3A_85 : vector<16xf32>
        %parallel_loop3A_87 = arith.constant 5.000000e-01 : f32
        %parallel_loop3A_88 = vector.broadcast %parallel_loop3A_87 : f32 to vector<16xf32>
        %parallel_loop3A_89 = arith.mulf %parallel_loop3A_88, %parallel_loop3A_69 : vector<16xf32>
        %parallel_loop3A_90 = arith.mulf %parallel_loop3A_89, %parallel_loop3A_86 : vector<16xf32>
        %parallel_loop3A_91 = arith.mulf %parallel_loop3A_90, %parallel_loop3A_86 : vector<16xf32>
        %parallel_loop3A_92 = arith.constant 1.500000e+00 : f32
        %parallel_loop3A_93 = vector.broadcast %parallel_loop3A_92 : f32 to vector<16xf32>
        %parallel_loop3A_94 = arith.subf %parallel_loop3A_93, %parallel_loop3A_91 : vector<16xf32>
        %parallel_loop3A_95 = arith.mulf %parallel_loop3A_86, %parallel_loop3A_94 : vector<16xf32>
        %parallel_loop3A_96 = arith.constant 5.000000e-01 : f32
        %parallel_loop3A_97 = vector.broadcast %parallel_loop3A_96 : f32 to vector<16xf32>
        %parallel_loop3A_98 = arith.mulf %parallel_loop3A_97, %parallel_loop3A_69 : vector<16xf32>
        %parallel_loop3A_99 = arith.mulf %parallel_loop3A_98, %parallel_loop3A_95 : vector<16xf32>
        %parallel_loop3A_100 = arith.mulf %parallel_loop3A_99, %parallel_loop3A_95 : vector<16xf32>
        %parallel_loop3A_101 = arith.constant 1.500000e+00 : f32
        %parallel_loop3A_102 = vector.broadcast %parallel_loop3A_101 : f32 to vector<16xf32>
        %parallel_loop3A_103 = arith.subf %parallel_loop3A_102, %parallel_loop3A_100 : vector<16xf32>
        %parallel_loop3A_104 = arith.mulf %parallel_loop3A_95, %parallel_loop3A_103 : vector<16xf32>
        %parallel_loop3A_105 = arith.constant 0.000000e+00 : f32
        %parallel_loop3A_106 = vector.broadcast %parallel_loop3A_105 : f32 to vector<16xf32>
        %parallel_loop3A_107 = arith.cmpf ogt, %parallel_loop3A_69, %parallel_loop3A_106 : vector<16xf32>
        %parallel_loop3A_108 = arith.constant 0.000000e+00 : f32
        %parallel_loop3A_109 = vector.broadcast %parallel_loop3A_108 : f32 to vector<16xf32>
        %parallel_loop3A_110 = arith.select %parallel_loop3A_107, %parallel_loop3A_104, %parallel_loop3A_109 : vector<16xi1>, vector<16xf32>
        %parallel_loop3A_111 = arith.constant 16 : i32
        %parallel_loop3A_112 = arith.muli %parallel_loop3A_65, %parallel_loop3A_111 : i32
        %parallel_loop3A_113 = arith.index_cast %parallel_loop3A_112 : i32 to index
        %parallel_loop3A_114 = tpu.vector_load %arg13[%parallel_loop3A_113] {strides = array<i32>} : memref<1008xf32, #tpu.memory_space<vmem>>, vector<16xf32>,
        tpu.vector_store %arg13[%parallel_loop3A_113], %parallel_loop3A_110 {strides = array<i32>} : memref<1008xf32, #tpu.memory_space<vmem>>, vector<16xf32>,
      } {sc.loop_unroll_factor = 2 : i64, sc.parallel_access}
      %parallel_loop3A_26 = arith.constant 0 : i32
      %parallel_loop3A_27 = arith.constant 32 : i32
      %parallel_loop3A_28 = arith.constant 1 : i32
      scf.for %parallel_loop3A_65 = %parallel_loop3A_26 to %parallel_loop3A_27 step %parallel_loop3A_28  : i32 {
        %parallel_loop3A_66 = arith.constant 16 : i32
        %parallel_loop3A_67 = arith.muli %parallel_loop3A_65, %parallel_loop3A_66 : i32
        %parallel_loop3A_68 = arith.index_cast %parallel_loop3A_67 : i32 to index
        %parallel_loop3A_69 = tpu.vector_load %arg15[%parallel_loop3A_68] {strides = array<i32>} : memref<512xi32, #tpu.memory_space<vmem>>, vector<16xi32>,
        %parallel_loop3A_70 = arith.constant 16 : i32
        %parallel_loop3A_71 = arith.muli %parallel_loop3A_65, %parallel_loop3A_70 : i32
        %parallel_loop3A_72 = arith.index_cast %parallel_loop3A_71 : i32 to index
        %parallel_loop3A_73 = tpu.vector_load %arg16[%parallel_loop3A_72] {strides = array<i32>} : memref<512xi32, #tpu.memory_space<vmem>>, vector<16xi32>,
        %parallel_loop3A_74 = tpu.vector_load_idx %arg13[%parallel_loop3A_69] : memref<1008xf32, #tpu.memory_space<vmem>>[vector<16xi32>], vector<16xf32>,
        %parallel_loop3A_75 = tpu.vector_load_idx %arg13[%parallel_loop3A_73] : memref<1008xf32, #tpu.memory_space<vmem>>[vector<16xi32>], vector<16xf32>,
        %parallel_loop3A_76 = arith.constant 16 : i32
        %parallel_loop3A_77 = arith.muli %parallel_loop3A_65, %parallel_loop3A_76 : i32
        %parallel_loop3A_78 = vector.broadcast %parallel_loop3A_77 : i32 to vector<16xi32>
        %parallel_loop3A_79 = arith.addi %parallel_loop3A_78, %iota3A : vector<16xi32>
        %parallel_loop3A_80 = arith.constant 500 : i32
        %parallel_loop3A_81 = vector.broadcast %parallel_loop3A_80 : i32 to vector<16xi32>
        %parallel_loop3A_82 = arith.cmpi slt, %parallel_loop3A_79, %parallel_loop3A_81 : vector<16xi32>
        %parallel_loop3A_83 = arith.constant 1.000000e+00 : f32
        %parallel_loop3A_84 = arith.constant 0.000000e+00 : f32
        %parallel_loop3A_85 = vector.broadcast %parallel_loop3A_83 : f32 to vector<16xf32>
        %parallel_loop3A_86 = vector.broadcast %parallel_loop3A_84 : f32 to vector<16xf32>
        %parallel_loop3A_87 = arith.select %parallel_loop3A_82, %parallel_loop3A_85, %parallel_loop3A_86 : vector<16xi1>, vector<16xf32>
        %parallel_loop3A_88 = arith.mulf %parallel_loop3A_74, %parallel_loop3A_75 : vector<16xf32>
        %parallel_loop3A_89 = arith.mulf %parallel_loop3A_88, %parallel_loop3A_87 : vector<16xf32>
        %parallel_loop3A_90 = arith.constant 16 : i32
        %parallel_loop3A_91 = arith.muli %parallel_loop3A_65, %parallel_loop3A_90 : i32
        %parallel_loop3A_92 = arith.index_cast %parallel_loop3A_91 : i32 to index
        %parallel_loop3A_93 = tpu.vector_load %arg14[%parallel_loop3A_92] {strides = array<i32>} : memref<512xf32, #tpu.memory_space<vmem>>, vector<16xf32>,
        tpu.vector_store %arg14[%parallel_loop3A_92], %parallel_loop3A_89 {strides = array<i32>} : memref<512xf32, #tpu.memory_space<vmem>>, vector<16xf32>,
      } {sc.loop_unroll_factor = 2 : i64, sc.parallel_access}
      %parallel_loop3A_29 = arith.constant 0 : i32
      %parallel_loop3A_30 = arith.constant 32 : i32
      %parallel_loop3A_31 = arith.constant 1 : i32
      scf.for %parallel_loop3A_65 = %parallel_loop3A_29 to %parallel_loop3A_30 step %parallel_loop3A_31  : i32 {
        %parallel_loop3A_66 = arith.constant 16 : i32
        %parallel_loop3A_67 = arith.muli %parallel_loop3A_65, %parallel_loop3A_66 : i32
        %parallel_loop3A_68 = arith.index_cast %parallel_loop3A_67 : i32 to index
        %parallel_loop3A_69 = tpu.vector_load %arg14[%parallel_loop3A_68] {strides = array<i32>} : memref<512xf32, #tpu.memory_space<vmem>>, vector<16xf32>,
        %parallel_loop3A_70 = vector.extract_strided_slice %parallel_loop3A_69 {offsets = [0], sizes = [1], strides = [1]} : vector<16xf32> to vector<1xf32>
        %parallel_loop3A_71 = vector.extract %parallel_loop3A_70[0] : f32 from vector<1xf32>
        %parallel_loop3A_72 = vector.broadcast %parallel_loop3A_71 : f32 to vector<16xf32>
        %parallel_loop3A_73 = arith.constant 16 : i32
        %parallel_loop3A_74 = arith.muli %parallel_loop3A_65, %parallel_loop3A_73 : i32
        %parallel_loop3A_75 = arith.constant 0 : i32
        %parallel_loop3A_76 = arith.addi %parallel_loop3A_74, %parallel_loop3A_75 : i32
        %parallel_loop3A_77 = arith.index_cast %parallel_loop3A_76 : i32 to index
        %parallel_loop3A_78 = arith.constant 0 : index
        %parallel_loop3A_79 = tpu.vector_load %arg12[%parallel_loop3A_77, %parallel_loop3A_78] {strides = array<i32>} : memref<512x16xf32, #tpu.memory_space<vmem>>, vector<16xf32>,
        tpu.vector_store %arg12[%parallel_loop3A_77, %parallel_loop3A_78], %parallel_loop3A_72 {strides = array<i32>} : memref<512x16xf32, #tpu.memory_space<vmem>>, vector<16xf32>,
        %parallel_loop3A_80 = vector.extract_strided_slice %parallel_loop3A_69 {offsets = [1], sizes = [1], strides = [1]} : vector<16xf32> to vector<1xf32>
        %parallel_loop3A_81 = vector.extract %parallel_loop3A_80[0] : f32 from vector<1xf32>
        %parallel_loop3A_82 = vector.broadcast %parallel_loop3A_81 : f32 to vector<16xf32>
        %parallel_loop3A_83 = arith.constant 16 : i32
        %parallel_loop3A_84 = arith.muli %parallel_loop3A_65, %parallel_loop3A_83 : i32
        %parallel_loop3A_85 = arith.constant 1 : i32
        %parallel_loop3A_86 = arith.addi %parallel_loop3A_84, %parallel_loop3A_85 : i32
        %parallel_loop3A_87 = arith.index_cast %parallel_loop3A_86 : i32 to index
        %parallel_loop3A_88 = arith.constant 0 : index
        %parallel_loop3A_89 = tpu.vector_load %arg12[%parallel_loop3A_87, %parallel_loop3A_88] {strides = array<i32>} : memref<512x16xf32, #tpu.memory_space<vmem>>, vector<16xf32>,
        tpu.vector_store %arg12[%parallel_loop3A_87, %parallel_loop3A_88], %parallel_loop3A_82 {strides = array<i32>} : memref<512x16xf32, #tpu.memory_space<vmem>>, vector<16xf32>,
        %parallel_loop3A_90 = vector.extract_strided_slice %parallel_loop3A_69 {offsets = [2], sizes = [1], strides = [1]} : vector<16xf32> to vector<1xf32>
        %parallel_loop3A_91 = vector.extract %parallel_loop3A_90[0] : f32 from vector<1xf32>
        %parallel_loop3A_92 = vector.broadcast %parallel_loop3A_91 : f32 to vector<16xf32>
        %parallel_loop3A_93 = arith.constant 16 : i32
        %parallel_loop3A_94 = arith.muli %parallel_loop3A_65, %parallel_loop3A_93 : i32
        %parallel_loop3A_95 = arith.constant 2 : i32
        %parallel_loop3A_96 = arith.addi %parallel_loop3A_94, %parallel_loop3A_95 : i32
        %parallel_loop3A_97 = arith.index_cast %parallel_loop3A_96 : i32 to index
        %parallel_loop3A_98 = arith.constant 0 : index
        %parallel_loop3A_99 = tpu.vector_load %arg12[%parallel_loop3A_97, %parallel_loop3A_98] {strides = array<i32>} : memref<512x16xf32, #tpu.memory_space<vmem>>, vector<16xf32>,
        tpu.vector_store %arg12[%parallel_loop3A_97, %parallel_loop3A_98], %parallel_loop3A_92 {strides = array<i32>} : memref<512x16xf32, #tpu.memory_space<vmem>>, vector<16xf32>,
        %parallel_loop3A_100 = vector.extract_strided_slice %parallel_loop3A_69 {offsets = [3], sizes = [1], strides = [1]} : vector<16xf32> to vector<1xf32>
        %parallel_loop3A_101 = vector.extract %parallel_loop3A_100[0] : f32 from vector<1xf32>
        %parallel_loop3A_102 = vector.broadcast %parallel_loop3A_101 : f32 to vector<16xf32>
        %parallel_loop3A_103 = arith.constant 16 : i32
        %parallel_loop3A_104 = arith.muli %parallel_loop3A_65, %parallel_loop3A_103 : i32
        %parallel_loop3A_105 = arith.constant 3 : i32
        %parallel_loop3A_106 = arith.addi %parallel_loop3A_104, %parallel_loop3A_105 : i32
        %parallel_loop3A_107 = arith.index_cast %parallel_loop3A_106 : i32 to index
        %parallel_loop3A_108 = arith.constant 0 : index
        %parallel_loop3A_109 = tpu.vector_load %arg12[%parallel_loop3A_107, %parallel_loop3A_108] {strides = array<i32>} : memref<512x16xf32, #tpu.memory_space<vmem>>, vector<16xf32>,
        tpu.vector_store %arg12[%parallel_loop3A_107, %parallel_loop3A_108], %parallel_loop3A_102 {strides = array<i32>} : memref<512x16xf32, #tpu.memory_space<vmem>>, vector<16xf32>,
        %parallel_loop3A_110 = vector.extract_strided_slice %parallel_loop3A_69 {offsets = [4], sizes = [1], strides = [1]} : vector<16xf32> to vector<1xf32>
        %parallel_loop3A_111 = vector.extract %parallel_loop3A_110[0] : f32 from vector<1xf32>
        %parallel_loop3A_112 = vector.broadcast %parallel_loop3A_111 : f32 to vector<16xf32>
        %parallel_loop3A_113 = arith.constant 16 : i32
        %parallel_loop3A_114 = arith.muli %parallel_loop3A_65, %parallel_loop3A_113 : i32
        %parallel_loop3A_115 = arith.constant 4 : i32
        %parallel_loop3A_116 = arith.addi %parallel_loop3A_114, %parallel_loop3A_115 : i32
        %parallel_loop3A_117 = arith.index_cast %parallel_loop3A_116 : i32 to index
        %parallel_loop3A_118 = arith.constant 0 : index
        %parallel_loop3A_119 = tpu.vector_load %arg12[%parallel_loop3A_117, %parallel_loop3A_118] {strides = array<i32>} : memref<512x16xf32, #tpu.memory_space<vmem>>, vector<16xf32>,
        tpu.vector_store %arg12[%parallel_loop3A_117, %parallel_loop3A_118], %parallel_loop3A_112 {strides = array<i32>} : memref<512x16xf32, #tpu.memory_space<vmem>>, vector<16xf32>,
        %parallel_loop3A_120 = vector.extract_strided_slice %parallel_loop3A_69 {offsets = [5], sizes = [1], strides = [1]} : vector<16xf32> to vector<1xf32>
        %parallel_loop3A_121 = vector.extract %parallel_loop3A_120[0] : f32 from vector<1xf32>
        %parallel_loop3A_122 = vector.broadcast %parallel_loop3A_121 : f32 to vector<16xf32>
        %parallel_loop3A_123 = arith.constant 16 : i32
        %parallel_loop3A_124 = arith.muli %parallel_loop3A_65, %parallel_loop3A_123 : i32
        %parallel_loop3A_125 = arith.constant 5 : i32
        %parallel_loop3A_126 = arith.addi %parallel_loop3A_124, %parallel_loop3A_125 : i32
        %parallel_loop3A_127 = arith.index_cast %parallel_loop3A_126 : i32 to index
        %parallel_loop3A_128 = arith.constant 0 : index
        %parallel_loop3A_129 = tpu.vector_load %arg12[%parallel_loop3A_127, %parallel_loop3A_128] {strides = array<i32>} : memref<512x16xf32, #tpu.memory_space<vmem>>, vector<16xf32>,
        tpu.vector_store %arg12[%parallel_loop3A_127, %parallel_loop3A_128], %parallel_loop3A_122 {strides = array<i32>} : memref<512x16xf32, #tpu.memory_space<vmem>>, vector<16xf32>,
        %parallel_loop3A_130 = vector.extract_strided_slice %parallel_loop3A_69 {offsets = [6], sizes = [1], strides = [1]} : vector<16xf32> to vector<1xf32>
        %parallel_loop3A_131 = vector.extract %parallel_loop3A_130[0] : f32 from vector<1xf32>
        %parallel_loop3A_132 = vector.broadcast %parallel_loop3A_131 : f32 to vector<16xf32>
        %parallel_loop3A_133 = arith.constant 16 : i32
        %parallel_loop3A_134 = arith.muli %parallel_loop3A_65, %parallel_loop3A_133 : i32
        %parallel_loop3A_135 = arith.constant 6 : i32
        %parallel_loop3A_136 = arith.addi %parallel_loop3A_134, %parallel_loop3A_135 : i32
        %parallel_loop3A_137 = arith.index_cast %parallel_loop3A_136 : i32 to index
        %parallel_loop3A_138 = arith.constant 0 : index
        %parallel_loop3A_139 = tpu.vector_load %arg12[%parallel_loop3A_137, %parallel_loop3A_138] {strides = array<i32>} : memref<512x16xf32, #tpu.memory_space<vmem>>, vector<16xf32>,
        tpu.vector_store %arg12[%parallel_loop3A_137, %parallel_loop3A_138], %parallel_loop3A_132 {strides = array<i32>} : memref<512x16xf32, #tpu.memory_space<vmem>>, vector<16xf32>,
        %parallel_loop3A_140 = vector.extract_strided_slice %parallel_loop3A_69 {offsets = [7], sizes = [1], strides = [1]} : vector<16xf32> to vector<1xf32>
        %parallel_loop3A_141 = vector.extract %parallel_loop3A_140[0] : f32 from vector<1xf32>
        %parallel_loop3A_142 = vector.broadcast %parallel_loop3A_141 : f32 to vector<16xf32>
        %parallel_loop3A_143 = arith.constant 16 : i32
        %parallel_loop3A_144 = arith.muli %parallel_loop3A_65, %parallel_loop3A_143 : i32
        %parallel_loop3A_145 = arith.constant 7 : i32
        %parallel_loop3A_146 = arith.addi %parallel_loop3A_144, %parallel_loop3A_145 : i32
        %parallel_loop3A_147 = arith.index_cast %parallel_loop3A_146 : i32 to index
        %parallel_loop3A_148 = arith.constant 0 : index
        %parallel_loop3A_149 = tpu.vector_load %arg12[%parallel_loop3A_147, %parallel_loop3A_148] {strides = array<i32>} : memref<512x16xf32, #tpu.memory_space<vmem>>, vector<16xf32>,
        tpu.vector_store %arg12[%parallel_loop3A_147, %parallel_loop3A_148], %parallel_loop3A_142 {strides = array<i32>} : memref<512x16xf32, #tpu.memory_space<vmem>>, vector<16xf32>,
        %parallel_loop3A_150 = vector.extract_strided_slice %parallel_loop3A_69 {offsets = [8], sizes = [1], strides = [1]} : vector<16xf32> to vector<1xf32>
        %parallel_loop3A_151 = vector.extract %parallel_loop3A_150[0] : f32 from vector<1xf32>
        %parallel_loop3A_152 = vector.broadcast %parallel_loop3A_151 : f32 to vector<16xf32>
        %parallel_loop3A_153 = arith.constant 16 : i32
        %parallel_loop3A_154 = arith.muli %parallel_loop3A_65, %parallel_loop3A_153 : i32
        %parallel_loop3A_155 = arith.constant 8 : i32
        %parallel_loop3A_156 = arith.addi %parallel_loop3A_154, %parallel_loop3A_155 : i32
        %parallel_loop3A_157 = arith.index_cast %parallel_loop3A_156 : i32 to index
        %parallel_loop3A_158 = arith.constant 0 : index
        %parallel_loop3A_159 = tpu.vector_load %arg12[%parallel_loop3A_157, %parallel_loop3A_158] {strides = array<i32>} : memref<512x16xf32, #tpu.memory_space<vmem>>, vector<16xf32>,
        tpu.vector_store %arg12[%parallel_loop3A_157, %parallel_loop3A_158], %parallel_loop3A_152 {strides = array<i32>} : memref<512x16xf32, #tpu.memory_space<vmem>>, vector<16xf32>,
        %parallel_loop3A_160 = vector.extract_strided_slice %parallel_loop3A_69 {offsets = [9], sizes = [1], strides = [1]} : vector<16xf32> to vector<1xf32>
        %parallel_loop3A_161 = vector.extract %parallel_loop3A_160[0] : f32 from vector<1xf32>
        %parallel_loop3A_162 = vector.broadcast %parallel_loop3A_161 : f32 to vector<16xf32>
        %parallel_loop3A_163 = arith.constant 16 : i32
        %parallel_loop3A_164 = arith.muli %parallel_loop3A_65, %parallel_loop3A_163 : i32
        %parallel_loop3A_165 = arith.constant 9 : i32
        %parallel_loop3A_166 = arith.addi %parallel_loop3A_164, %parallel_loop3A_165 : i32
        %parallel_loop3A_167 = arith.index_cast %parallel_loop3A_166 : i32 to index
        %parallel_loop3A_168 = arith.constant 0 : index
        %parallel_loop3A_169 = tpu.vector_load %arg12[%parallel_loop3A_167, %parallel_loop3A_168] {strides = array<i32>} : memref<512x16xf32, #tpu.memory_space<vmem>>, vector<16xf32>,
        tpu.vector_store %arg12[%parallel_loop3A_167, %parallel_loop3A_168], %parallel_loop3A_162 {strides = array<i32>} : memref<512x16xf32, #tpu.memory_space<vmem>>, vector<16xf32>,
        %parallel_loop3A_170 = vector.extract_strided_slice %parallel_loop3A_69 {offsets = [10], sizes = [1], strides = [1]} : vector<16xf32> to vector<1xf32>
        %parallel_loop3A_171 = vector.extract %parallel_loop3A_170[0] : f32 from vector<1xf32>
        %parallel_loop3A_172 = vector.broadcast %parallel_loop3A_171 : f32 to vector<16xf32>
        %parallel_loop3A_173 = arith.constant 16 : i32
        %parallel_loop3A_174 = arith.muli %parallel_loop3A_65, %parallel_loop3A_173 : i32
        %parallel_loop3A_175 = arith.constant 10 : i32
        %parallel_loop3A_176 = arith.addi %parallel_loop3A_174, %parallel_loop3A_175 : i32
        %parallel_loop3A_177 = arith.index_cast %parallel_loop3A_176 : i32 to index
        %parallel_loop3A_178 = arith.constant 0 : index
        %parallel_loop3A_179 = tpu.vector_load %arg12[%parallel_loop3A_177, %parallel_loop3A_178] {strides = array<i32>} : memref<512x16xf32, #tpu.memory_space<vmem>>, vector<16xf32>,
        tpu.vector_store %arg12[%parallel_loop3A_177, %parallel_loop3A_178], %parallel_loop3A_172 {strides = array<i32>} : memref<512x16xf32, #tpu.memory_space<vmem>>, vector<16xf32>,
        %parallel_loop3A_180 = vector.extract_strided_slice %parallel_loop3A_69 {offsets = [11], sizes = [1], strides = [1]} : vector<16xf32> to vector<1xf32>
        %parallel_loop3A_181 = vector.extract %parallel_loop3A_180[0] : f32 from vector<1xf32>
        %parallel_loop3A_182 = vector.broadcast %parallel_loop3A_181 : f32 to vector<16xf32>
        %parallel_loop3A_183 = arith.constant 16 : i32
        %parallel_loop3A_184 = arith.muli %parallel_loop3A_65, %parallel_loop3A_183 : i32
        %parallel_loop3A_185 = arith.constant 11 : i32
        %parallel_loop3A_186 = arith.addi %parallel_loop3A_184, %parallel_loop3A_185 : i32
        %parallel_loop3A_187 = arith.index_cast %parallel_loop3A_186 : i32 to index
        %parallel_loop3A_188 = arith.constant 0 : index
        %parallel_loop3A_189 = tpu.vector_load %arg12[%parallel_loop3A_187, %parallel_loop3A_188] {strides = array<i32>} : memref<512x16xf32, #tpu.memory_space<vmem>>, vector<16xf32>,
        tpu.vector_store %arg12[%parallel_loop3A_187, %parallel_loop3A_188], %parallel_loop3A_182 {strides = array<i32>} : memref<512x16xf32, #tpu.memory_space<vmem>>, vector<16xf32>,
        %parallel_loop3A_190 = vector.extract_strided_slice %parallel_loop3A_69 {offsets = [12], sizes = [1], strides = [1]} : vector<16xf32> to vector<1xf32>
        %parallel_loop3A_191 = vector.extract %parallel_loop3A_190[0] : f32 from vector<1xf32>
        %parallel_loop3A_192 = vector.broadcast %parallel_loop3A_191 : f32 to vector<16xf32>
        %parallel_loop3A_193 = arith.constant 16 : i32
        %parallel_loop3A_194 = arith.muli %parallel_loop3A_65, %parallel_loop3A_193 : i32
        %parallel_loop3A_195 = arith.constant 12 : i32
        %parallel_loop3A_196 = arith.addi %parallel_loop3A_194, %parallel_loop3A_195 : i32
        %parallel_loop3A_197 = arith.index_cast %parallel_loop3A_196 : i32 to index
        %parallel_loop3A_198 = arith.constant 0 : index
        %parallel_loop3A_199 = tpu.vector_load %arg12[%parallel_loop3A_197, %parallel_loop3A_198] {strides = array<i32>} : memref<512x16xf32, #tpu.memory_space<vmem>>, vector<16xf32>,
        tpu.vector_store %arg12[%parallel_loop3A_197, %parallel_loop3A_198], %parallel_loop3A_192 {strides = array<i32>} : memref<512x16xf32, #tpu.memory_space<vmem>>, vector<16xf32>,
        %parallel_loop3A_200 = vector.extract_strided_slice %parallel_loop3A_69 {offsets = [13], sizes = [1], strides = [1]} : vector<16xf32> to vector<1xf32>
        %parallel_loop3A_201 = vector.extract %parallel_loop3A_200[0] : f32 from vector<1xf32>
        %parallel_loop3A_202 = vector.broadcast %parallel_loop3A_201 : f32 to vector<16xf32>
        %parallel_loop3A_203 = arith.constant 16 : i32
        %parallel_loop3A_204 = arith.muli %parallel_loop3A_65, %parallel_loop3A_203 : i32
        %parallel_loop3A_205 = arith.constant 13 : i32
        %parallel_loop3A_206 = arith.addi %parallel_loop3A_204, %parallel_loop3A_205 : i32
        %parallel_loop3A_207 = arith.index_cast %parallel_loop3A_206 : i32 to index
        %parallel_loop3A_208 = arith.constant 0 : index
        %parallel_loop3A_209 = tpu.vector_load %arg12[%parallel_loop3A_207, %parallel_loop3A_208] {strides = array<i32>} : memref<512x16xf32, #tpu.memory_space<vmem>>, vector<16xf32>,
        tpu.vector_store %arg12[%parallel_loop3A_207, %parallel_loop3A_208], %parallel_loop3A_202 {strides = array<i32>} : memref<512x16xf32, #tpu.memory_space<vmem>>, vector<16xf32>,
        %parallel_loop3A_210 = vector.extract_strided_slice %parallel_loop3A_69 {offsets = [14], sizes = [1], strides = [1]} : vector<16xf32> to vector<1xf32>
        %parallel_loop3A_211 = vector.extract %parallel_loop3A_210[0] : f32 from vector<1xf32>
        %parallel_loop3A_212 = vector.broadcast %parallel_loop3A_211 : f32 to vector<16xf32>
        %parallel_loop3A_213 = arith.constant 16 : i32
        %parallel_loop3A_214 = arith.muli %parallel_loop3A_65, %parallel_loop3A_213 : i32
        %parallel_loop3A_215 = arith.constant 14 : i32
        %parallel_loop3A_216 = arith.addi %parallel_loop3A_214, %parallel_loop3A_215 : i32
        %parallel_loop3A_217 = arith.index_cast %parallel_loop3A_216 : i32 to index
        %parallel_loop3A_218 = arith.constant 0 : index
        %parallel_loop3A_219 = tpu.vector_load %arg12[%parallel_loop3A_217, %parallel_loop3A_218] {strides = array<i32>} : memref<512x16xf32, #tpu.memory_space<vmem>>, vector<16xf32>,
        tpu.vector_store %arg12[%parallel_loop3A_217, %parallel_loop3A_218], %parallel_loop3A_212 {strides = array<i32>} : memref<512x16xf32, #tpu.memory_space<vmem>>, vector<16xf32>,
        %parallel_loop3A_220 = vector.extract_strided_slice %parallel_loop3A_69 {offsets = [15], sizes = [1], strides = [1]} : vector<16xf32> to vector<1xf32>
        %parallel_loop3A_221 = vector.extract %parallel_loop3A_220[0] : f32 from vector<1xf32>
        %parallel_loop3A_222 = vector.broadcast %parallel_loop3A_221 : f32 to vector<16xf32>
        %parallel_loop3A_223 = arith.constant 16 : i32
        %parallel_loop3A_224 = arith.muli %parallel_loop3A_65, %parallel_loop3A_223 : i32
        %parallel_loop3A_225 = arith.constant 15 : i32
        %parallel_loop3A_226 = arith.addi %parallel_loop3A_224, %parallel_loop3A_225 : i32
        %parallel_loop3A_227 = arith.index_cast %parallel_loop3A_226 : i32 to index
        %parallel_loop3A_228 = arith.constant 0 : index
        %parallel_loop3A_229 = tpu.vector_load %arg12[%parallel_loop3A_227, %parallel_loop3A_228] {strides = array<i32>} : memref<512x16xf32, #tpu.memory_space<vmem>>, vector<16xf32>,
        tpu.vector_store %arg12[%parallel_loop3A_227, %parallel_loop3A_228], %parallel_loop3A_222 {strides = array<i32>} : memref<512x16xf32, #tpu.memory_space<vmem>>, vector<16xf32>,
      } {sc.loop_unroll_factor = 1 : i64, sc.parallel_access}
      %run_scoped3A_32 = arith.constant 0 : i32
      "tpu.region"() ({
        %run_scoped3A_65 = tpu.sem_alloc : memref<!tpu.dma_semaphore, #tpu.memory_space<semaphore_mem>>
        %dma_start3A = arith.constant 0 : i32
        %dma_start3A_66 = arith.constant 0 : i32
        %dma_start3A_67 = tpu.memref_slice %arg23[%arg1, %run_scoped3A_32, %dma_start3A, %dma_start3A_66] : memref<4x2x1000x16xf32, #tpu.memory_space<vmem_shared>> -> memref<1x1x1000x16xf32, #tpu.memory_space<vmem_shared>>
        %dma_start3A_68 = tpu.memref_squeeze %dma_start3A_67 : memref<1x1x1000x16xf32, #tpu.memory_space<vmem_shared>> -> memref<1000x16xf32, #tpu.memory_space<vmem_shared>>
        %dma_start3A_69 = arith.constant 0 : i32
        %dma_start3A_70 = arith.constant 0 : i32
        %dma_start3A_71 = tpu.memref_slice %dma_start3A_68[%dma_start3A_69, %dma_start3A_70] : memref<1000x16xf32, #tpu.memory_space<vmem_shared>> -> memref<1000x16xf32, #tpu.memory_space<vmem_shared>>
        tpu.enqueue_indirect_dma source(%dma_start3A_71 : memref<1000x16xf32, #tpu.memory_space<vmem_shared>>) target(%arg11 : memref<512x16xf32, #tpu.memory_space<vmem>>) offsets(%arg15 : memref<512xi32, #tpu.memory_space<vmem>>) semaphore(%run_scoped3A_65 : memref<!tpu.dma_semaphore, #tpu.memory_space<semaphore_mem>>)
        %dma_wait3A = arith.constant 0 : i32
        %dma_wait3A_72 = arith.constant 0 : i32
        %dma_wait3A_73 = tpu.memref_slice %arg23[%arg1, %run_scoped3A_32, %dma_wait3A, %dma_wait3A_72] : memref<4x2x1000x16xf32, #tpu.memory_space<vmem_shared>> -> memref<1x1x1000x16xf32, #tpu.memory_space<vmem_shared>>
        %dma_wait3A_74 = tpu.memref_squeeze %dma_wait3A_73 : memref<1x1x1000x16xf32, #tpu.memory_space<vmem_shared>> -> memref<1000x16xf32, #tpu.memory_space<vmem_shared>>
        %dma_wait3A_75 = arith.constant 0 : i32
        %dma_wait3A_76 = arith.constant 0 : i32
        %dma_wait3A_77 = tpu.memref_slice %dma_wait3A_74[%dma_wait3A_75, %dma_wait3A_76] : memref<1000x16xf32, #tpu.memory_space<vmem_shared>> -> memref<1000x16xf32, #tpu.memory_space<vmem_shared>>
        tpu.wait_indirect_dma semaphore(%run_scoped3A_65 : memref<!tpu.dma_semaphore, #tpu.memory_space<semaphore_mem>>) src(%dma_wait3A_77 : memref<1000x16xf32, #tpu.memory_space<vmem_shared>>) dst(%arg11 : memref<512x16xf32, #tpu.memory_space<vmem>>)
        tpu.yield
      }) : () -> ()
      %parallel_loop3A_33 = arith.constant 0 : i32
      %parallel_loop3A_34 = arith.constant 512 : i32
      %parallel_loop3A_35 = arith.constant 1 : i32
      scf.for %parallel_loop3A_65 = %parallel_loop3A_33 to %parallel_loop3A_34 step %parallel_loop3A_35  : i32 {
        %parallel_loop3A_66 = arith.index_cast %parallel_loop3A_65 : i32 to index
        %parallel_loop3A_67 = arith.constant 0 : index
        %parallel_loop3A_68 = tpu.vector_load %arg11[%parallel_loop3A_66, %parallel_loop3A_67] {strides = array<i32>} : memref<512x16xf32, #tpu.memory_space<vmem>>, vector<16xf32>,
        %parallel_loop3A_69 = arith.index_cast %parallel_loop3A_65 : i32 to index
        %parallel_loop3A_70 = arith.constant 0 : index
        %parallel_loop3A_71 = tpu.vector_load %arg12[%parallel_loop3A_69, %parallel_loop3A_70] {strides = array<i32>} : memref<512x16xf32, #tpu.memory_space<vmem>>, vector<16xf32>,
        %parallel_loop3A_72 = arith.mulf %parallel_loop3A_68, %parallel_loop3A_71 : vector<16xf32>
        %parallel_loop3A_73 = arith.index_cast %parallel_loop3A_65 : i32 to index
        %parallel_loop3A_74 = arith.constant 0 : index
        %parallel_loop3A_75 = tpu.vector_load %arg11[%parallel_loop3A_73, %parallel_loop3A_74] {strides = array<i32>} : memref<512x16xf32, #tpu.memory_space<vmem>>, vector<16xf32>,
        tpu.vector_store %arg11[%parallel_loop3A_73, %parallel_loop3A_74], %parallel_loop3A_72 {strides = array<i32>} : memref<512x16xf32, #tpu.memory_space<vmem>>, vector<16xf32>,
      } {sc.loop_unroll_factor = 4 : i64, sc.parallel_access}
      %run_scoped3A_36 = arith.constant 1 : i32
      "tpu.region"() ({
        %run_scoped3A_65 = tpu.sem_alloc : memref<!tpu.dma_semaphore, #tpu.memory_space<semaphore_mem>>
        %dma_start3A = arith.constant 0 : i32
        %dma_start3A_66 = arith.constant 0 : i32
        %dma_start3A_67 = tpu.memref_slice %arg23[%arg1, %run_scoped3A_36, %dma_start3A, %dma_start3A_66] : memref<4x2x1000x16xf32, #tpu.memory_space<vmem_shared>> -> memref<1x1x1000x16xf32, #tpu.memory_space<vmem_shared>>
        %dma_start3A_68 = tpu.memref_squeeze %dma_start3A_67 : memref<1x1x1000x16xf32, #tpu.memory_space<vmem_shared>> -> memref<1000x16xf32, #tpu.memory_space<vmem_shared>>
        %dma_start3A_69 = arith.constant 0 : i32
        %dma_start3A_70 = arith.constant 0 : i32
        %dma_start3A_71 = tpu.memref_slice %dma_start3A_68[%dma_start3A_69, %dma_start3A_70] : memref<1000x16xf32, #tpu.memory_space<vmem_shared>> -> memref<1000x16xf32, #tpu.memory_space<vmem_shared>>
        tpu.enqueue_indirect_dma source(%arg11 : memref<512x16xf32, #tpu.memory_space<vmem>>) target(%dma_start3A_71 : memref<1000x16xf32, #tpu.memory_space<vmem_shared>>) offsets(%arg16 : memref<512xi32, #tpu.memory_space<vmem>>) semaphore(%run_scoped3A_65 : memref<!tpu.dma_semaphore, #tpu.memory_space<semaphore_mem>>) {add = true}
        %dma_wait3A = arith.constant 0 : i32
        %dma_wait3A_72 = arith.constant 0 : i32
        %dma_wait3A_73 = tpu.memref_slice %arg23[%arg1, %run_scoped3A_36, %dma_wait3A, %dma_wait3A_72] : memref<4x2x1000x16xf32, #tpu.memory_space<vmem_shared>> -> memref<1x1x1000x16xf32, #tpu.memory_space<vmem_shared>>
        %dma_wait3A_74 = tpu.memref_squeeze %dma_wait3A_73 : memref<1x1x1000x16xf32, #tpu.memory_space<vmem_shared>> -> memref<1000x16xf32, #tpu.memory_space<vmem_shared>>
        %dma_wait3A_75 = arith.constant 0 : i32
        %dma_wait3A_76 = arith.constant 0 : i32
        %dma_wait3A_77 = tpu.memref_slice %dma_wait3A_74[%dma_wait3A_75, %dma_wait3A_76] : memref<1000x16xf32, #tpu.memory_space<vmem_shared>> -> memref<1000x16xf32, #tpu.memory_space<vmem_shared>>
        tpu.wait_indirect_dma semaphore(%run_scoped3A_65 : memref<!tpu.dma_semaphore, #tpu.memory_space<semaphore_mem>>) src(%arg11 : memref<512x16xf32, #tpu.memory_space<vmem>>) dst(%dma_wait3A_77 : memref<1000x16xf32, #tpu.memory_space<vmem_shared>>)
        tpu.yield
      }) : () -> ()
      %run_scoped3A_37 = arith.constant 1 : i32
      "tpu.region"() ({
        %run_scoped3A_65 = tpu.sem_alloc : memref<!tpu.dma_semaphore, #tpu.memory_space<semaphore_mem>>
        %dma_start3A = arith.constant 0 : i32
        %dma_start3A_66 = arith.constant 0 : i32
        %dma_start3A_67 = tpu.memref_slice %arg23[%arg1, %run_scoped3A_37, %dma_start3A, %dma_start3A_66] : memref<4x2x1000x16xf32, #tpu.memory_space<vmem_shared>> -> memref<1x1x1000x16xf32, #tpu.memory_space<vmem_shared>>
        %dma_start3A_68 = tpu.memref_squeeze %dma_start3A_67 : memref<1x1x1000x16xf32, #tpu.memory_space<vmem_shared>> -> memref<1000x16xf32, #tpu.memory_space<vmem_shared>>
        %dma_start3A_69 = arith.constant 0 : i32
        %dma_start3A_70 = arith.constant 0 : i32
        %dma_start3A_71 = tpu.memref_slice %arg23[%arg1, %run_scoped3A_37, %dma_start3A_69, %dma_start3A_70] : memref<4x2x1000x16xf32, #tpu.memory_space<vmem_shared>> -> memref<1x1x1000x16xf32, #tpu.memory_space<vmem_shared>>
        %dma_start3A_72 = tpu.memref_squeeze %dma_start3A_71 : memref<1x1x1000x16xf32, #tpu.memory_space<vmem_shared>> -> memref<1000x16xf32, #tpu.memory_space<vmem_shared>>
        tpu.enqueue_dma source(%dma_start3A_72 : memref<1000x16xf32, #tpu.memory_space<vmem_shared>>) target(%arg7 : memref<1000x16xf32, #tpu.memory_space<vmem>>) target_semaphore(%run_scoped3A_65 : memref<!tpu.dma_semaphore, #tpu.memory_space<semaphore_mem>>)
        %dma_wait3A = arith.constant 0 : i32
        %dma_wait3A_73 = arith.constant 0 : i32
        %dma_wait3A_74 = tpu.memref_slice %arg23[%arg1, %run_scoped3A_37, %dma_wait3A, %dma_wait3A_73] : memref<4x2x1000x16xf32, #tpu.memory_space<vmem_shared>> -> memref<1x1x1000x16xf32, #tpu.memory_space<vmem_shared>>
        %dma_wait3A_75 = tpu.memref_squeeze %dma_wait3A_74 : memref<1x1x1000x16xf32, #tpu.memory_space<vmem_shared>> -> memref<1000x16xf32, #tpu.memory_space<vmem_shared>>
        %dma_wait3A_76 = arith.constant 0 : i32
        %dma_wait3A_77 = arith.constant 0 : i32
        %dma_wait3A_78 = tpu.memref_slice %arg23[%arg1, %run_scoped3A_37, %dma_wait3A_76, %dma_wait3A_77] : memref<4x2x1000x16xf32, #tpu.memory_space<vmem_shared>> -> memref<1x1x1000x16xf32, #tpu.memory_space<vmem_shared>>
        %dma_wait3A_79 = tpu.memref_squeeze %dma_wait3A_78 : memref<1x1x1000x16xf32, #tpu.memory_space<vmem_shared>> -> memref<1000x16xf32, #tpu.memory_space<vmem_shared>>
        tpu.wait_dma2 semaphore(%run_scoped3A_65 : memref<!tpu.dma_semaphore, #tpu.memory_space<semaphore_mem>>) src(%dma_wait3A_79 : memref<1000x16xf32, #tpu.memory_space<vmem_shared>>) dst(%arg7 : memref<1000x16xf32, #tpu.memory_space<vmem>>)
        tpu.yield
      }) : () -> ()
      %run_scoped3A_38 = arith.constant 0 : i32
      "tpu.region"() ({
        %run_scoped3A_65 = tpu.sem_alloc : memref<!tpu.dma_semaphore, #tpu.memory_space<semaphore_mem>>
        %dma_start3A = arith.constant 0 : i32
        %dma_start3A_66 = arith.constant 0 : i32
        %dma_start3A_67 = tpu.memref_slice %arg23[%arg1, %run_scoped3A_38, %dma_start3A, %dma_start3A_66] : memref<4x2x1000x16xf32, #tpu.memory_space<vmem_shared>> -> memref<1x1x1000x16xf32, #tpu.memory_space<vmem_shared>>
        %dma_start3A_68 = tpu.memref_squeeze %dma_start3A_67 : memref<1x1x1000x16xf32, #tpu.memory_space<vmem_shared>> -> memref<1000x16xf32, #tpu.memory_space<vmem_shared>>
        %dma_start3A_69 = arith.constant 0 : i32
        %dma_start3A_70 = arith.constant 0 : i32
        %dma_start3A_71 = tpu.memref_slice %arg23[%arg1, %run_scoped3A_38, %dma_start3A_69, %dma_start3A_70] : memref<4x2x1000x16xf32, #tpu.memory_space<vmem_shared>> -> memref<1x1x1000x16xf32, #tpu.memory_space<vmem_shared>>
        %dma_start3A_72 = tpu.memref_squeeze %dma_start3A_71 : memref<1x1x1000x16xf32, #tpu.memory_space<vmem_shared>> -> memref<1000x16xf32, #tpu.memory_space<vmem_shared>>
        tpu.enqueue_dma source(%arg8 : memref<1000x16xf32, #tpu.memory_space<vmem>>) target(%dma_start3A_72 : memref<1000x16xf32, #tpu.memory_space<vmem_shared>>) target_semaphore(%run_scoped3A_65 : memref<!tpu.dma_semaphore, #tpu.memory_space<semaphore_mem>>)
        %dma_wait3A = arith.constant 0 : i32
        %dma_wait3A_73 = arith.constant 0 : i32
        %dma_wait3A_74 = tpu.memref_slice %arg23[%arg1, %run_scoped3A_38, %dma_wait3A, %dma_wait3A_73] : memref<4x2x1000x16xf32, #tpu.memory_space<vmem_shared>> -> memref<1x1x1000x16xf32, #tpu.memory_space<vmem_shared>>
        %dma_wait3A_75 = tpu.memref_squeeze %dma_wait3A_74 : memref<1x1x1000x16xf32, #tpu.memory_space<vmem_shared>> -> memref<1000x16xf32, #tpu.memory_space<vmem_shared>>
        %dma_wait3A_76 = arith.constant 0 : i32
        %dma_wait3A_77 = arith.constant 0 : i32
        %dma_wait3A_78 = tpu.memref_slice %arg23[%arg1, %run_scoped3A_38, %dma_wait3A_76, %dma_wait3A_77] : memref<4x2x1000x16xf32, #tpu.memory_space<vmem_shared>> -> memref<1x1x1000x16xf32, #tpu.memory_space<vmem_shared>>
        %dma_wait3A_79 = tpu.memref_squeeze %dma_wait3A_78 : memref<1x1x1000x16xf32, #tpu.memory_space<vmem_shared>> -> memref<1000x16xf32, #tpu.memory_space<vmem_shared>>
        tpu.wait_dma2 semaphore(%run_scoped3A_65 : memref<!tpu.dma_semaphore, #tpu.memory_space<semaphore_mem>>) src(%arg8 : memref<1000x16xf32, #tpu.memory_space<vmem>>) dst(%dma_wait3A_79 : memref<1000x16xf32, #tpu.memory_space<vmem_shared>>)
        tpu.yield
      }) : () -> ()
      %run_scoped3A_39 = arith.constant 1 : i32
      "tpu.region"() ({
        %run_scoped3A_65 = tpu.sem_alloc : memref<!tpu.dma_semaphore, #tpu.memory_space<semaphore_mem>>
        %dma_start3A = arith.constant 0 : i32
        %dma_start3A_66 = arith.constant 0 : i32
        %dma_start3A_67 = tpu.memref_slice %arg23[%arg1, %run_scoped3A_39, %dma_start3A, %dma_start3A_66] : memref<4x2x1000x16xf32, #tpu.memory_space<vmem_shared>> -> memref<1x1x1000x16xf32, #tpu.memory_space<vmem_shared>>
        %dma_start3A_68 = tpu.memref_squeeze %dma_start3A_67 : memref<1x1x1000x16xf32, #tpu.memory_space<vmem_shared>> -> memref<1000x16xf32, #tpu.memory_space<vmem_shared>>
        %dma_start3A_69 = arith.constant 0 : i32
        %dma_start3A_70 = arith.constant 0 : i32
        %dma_start3A_71 = tpu.memref_slice %dma_start3A_68[%dma_start3A_69, %dma_start3A_70] : memref<1000x16xf32, #tpu.memory_space<vmem_shared>> -> memref<1000x16xf32, #tpu.memory_space<vmem_shared>>
        tpu.enqueue_indirect_dma source(%dma_start3A_71 : memref<1000x16xf32, #tpu.memory_space<vmem_shared>>) target(%arg11 : memref<512x16xf32, #tpu.memory_space<vmem>>) offsets(%arg15 : memref<512xi32, #tpu.memory_space<vmem>>) semaphore(%run_scoped3A_65 : memref<!tpu.dma_semaphore, #tpu.memory_space<semaphore_mem>>)
        %dma_wait3A = arith.constant 0 : i32
        %dma_wait3A_72 = arith.constant 0 : i32
        %dma_wait3A_73 = tpu.memref_slice %arg23[%arg1, %run_scoped3A_39, %dma_wait3A, %dma_wait3A_72] : memref<4x2x1000x16xf32, #tpu.memory_space<vmem_shared>> -> memref<1x1x1000x16xf32, #tpu.memory_space<vmem_shared>>
        %dma_wait3A_74 = tpu.memref_squeeze %dma_wait3A_73 : memref<1x1x1000x16xf32, #tpu.memory_space<vmem_shared>> -> memref<1000x16xf32, #tpu.memory_space<vmem_shared>>
        %dma_wait3A_75 = arith.constant 0 : i32
        %dma_wait3A_76 = arith.constant 0 : i32
        %dma_wait3A_77 = tpu.memref_slice %dma_wait3A_74[%dma_wait3A_75, %dma_wait3A_76] : memref<1000x16xf32, #tpu.memory_space<vmem_shared>> -> memref<1000x16xf32, #tpu.memory_space<vmem_shared>>
        tpu.wait_indirect_dma semaphore(%run_scoped3A_65 : memref<!tpu.dma_semaphore, #tpu.memory_space<semaphore_mem>>) src(%dma_wait3A_77 : memref<1000x16xf32, #tpu.memory_space<vmem_shared>>) dst(%arg11 : memref<512x16xf32, #tpu.memory_space<vmem>>)
        tpu.yield
      }) : () -> ()
      %parallel_loop3A_40 = arith.constant 0 : i32
      %parallel_loop3A_41 = arith.constant 512 : i32
      %parallel_loop3A_42 = arith.constant 1 : i32
      scf.for %parallel_loop3A_65 = %parallel_loop3A_40 to %parallel_loop3A_41 step %parallel_loop3A_42  : i32 {
        %parallel_loop3A_66 = arith.index_cast %parallel_loop3A_65 : i32 to index
        %parallel_loop3A_67 = arith.constant 0 : index
        %parallel_loop3A_68 = tpu.vector_load %arg11[%parallel_loop3A_66, %parallel_loop3A_67] {strides = array<i32>} : memref<512x16xf32, #tpu.memory_space<vmem>>, vector<16xf32>,
        %parallel_loop3A_69 = arith.index_cast %parallel_loop3A_65 : i32 to index
        %parallel_loop3A_70 = arith.constant 0 : index
        %parallel_loop3A_71 = tpu.vector_load %arg12[%parallel_loop3A_69, %parallel_loop3A_70] {strides = array<i32>} : memref<512x16xf32, #tpu.memory_space<vmem>>, vector<16xf32>,
        %parallel_loop3A_72 = arith.mulf %parallel_loop3A_68, %parallel_loop3A_71 : vector<16xf32>
        %parallel_loop3A_73 = arith.index_cast %parallel_loop3A_65 : i32 to index
        %parallel_loop3A_74 = arith.constant 0 : index
        %parallel_loop3A_75 = tpu.vector_load %arg11[%parallel_loop3A_73, %parallel_loop3A_74] {strides = array<i32>} : memref<512x16xf32, #tpu.memory_space<vmem>>, vector<16xf32>,
        tpu.vector_store %arg11[%parallel_loop3A_73, %parallel_loop3A_74], %parallel_loop3A_72 {strides = array<i32>} : memref<512x16xf32, #tpu.memory_space<vmem>>, vector<16xf32>,
      } {sc.loop_unroll_factor = 4 : i64, sc.parallel_access}
      %run_scoped3A_43 = arith.constant 0 : i32
      "tpu.region"() ({
        %run_scoped3A_65 = tpu.sem_alloc : memref<!tpu.dma_semaphore, #tpu.memory_space<semaphore_mem>>
        %dma_start3A = arith.constant 0 : i32
        %dma_start3A_66 = arith.constant 0 : i32
        %dma_start3A_67 = tpu.memref_slice %arg23[%arg1, %run_scoped3A_43, %dma_start3A, %dma_start3A_66] : memref<4x2x1000x16xf32, #tpu.memory_space<vmem_shared>> -> memref<1x1x1000x16xf32, #tpu.memory_space<vmem_shared>>
        %dma_start3A_68 = tpu.memref_squeeze %dma_start3A_67 : memref<1x1x1000x16xf32, #tpu.memory_space<vmem_shared>> -> memref<1000x16xf32, #tpu.memory_space<vmem_shared>>
        %dma_start3A_69 = arith.constant 0 : i32
        %dma_start3A_70 = arith.constant 0 : i32
        %dma_start3A_71 = tpu.memref_slice %dma_start3A_68[%dma_start3A_69, %dma_start3A_70] : memref<1000x16xf32, #tpu.memory_space<vmem_shared>> -> memref<1000x16xf32, #tpu.memory_space<vmem_shared>>
        tpu.enqueue_indirect_dma source(%arg11 : memref<512x16xf32, #tpu.memory_space<vmem>>) target(%dma_start3A_71 : memref<1000x16xf32, #tpu.memory_space<vmem_shared>>) offsets(%arg16 : memref<512xi32, #tpu.memory_space<vmem>>) semaphore(%run_scoped3A_65 : memref<!tpu.dma_semaphore, #tpu.memory_space<semaphore_mem>>) {add = true}
        %dma_wait3A = arith.constant 0 : i32
        %dma_wait3A_72 = arith.constant 0 : i32
        %dma_wait3A_73 = tpu.memref_slice %arg23[%arg1, %run_scoped3A_43, %dma_wait3A, %dma_wait3A_72] : memref<4x2x1000x16xf32, #tpu.memory_space<vmem_shared>> -> memref<1x1x1000x16xf32, #tpu.memory_space<vmem_shared>>
        %dma_wait3A_74 = tpu.memref_squeeze %dma_wait3A_73 : memref<1x1x1000x16xf32, #tpu.memory_space<vmem_shared>> -> memref<1000x16xf32, #tpu.memory_space<vmem_shared>>
        %dma_wait3A_75 = arith.constant 0 : i32
        %dma_wait3A_76 = arith.constant 0 : i32
        %dma_wait3A_77 = tpu.memref_slice %dma_wait3A_74[%dma_wait3A_75, %dma_wait3A_76] : memref<1000x16xf32, #tpu.memory_space<vmem_shared>> -> memref<1000x16xf32, #tpu.memory_space<vmem_shared>>
        tpu.wait_indirect_dma semaphore(%run_scoped3A_65 : memref<!tpu.dma_semaphore, #tpu.memory_space<semaphore_mem>>) src(%arg11 : memref<512x16xf32, #tpu.memory_space<vmem>>) dst(%dma_wait3A_77 : memref<1000x16xf32, #tpu.memory_space<vmem_shared>>)
        tpu.yield
      }) : () -> ()
      %run_scoped3A_44 = arith.constant 0 : i32
      "tpu.region"() ({
        %run_scoped3A_65 = tpu.sem_alloc : memref<!tpu.dma_semaphore, #tpu.memory_space<semaphore_mem>>
        %dma_start3A = arith.constant 0 : i32
        %dma_start3A_66 = arith.constant 0 : i32
        %dma_start3A_67 = tpu.memref_slice %arg23[%arg1, %run_scoped3A_44, %dma_start3A, %dma_start3A_66] : memref<4x2x1000x16xf32, #tpu.memory_space<vmem_shared>> -> memref<1x1x1000x16xf32, #tpu.memory_space<vmem_shared>>
        %dma_start3A_68 = tpu.memref_squeeze %dma_start3A_67 : memref<1x1x1000x16xf32, #tpu.memory_space<vmem_shared>> -> memref<1000x16xf32, #tpu.memory_space<vmem_shared>>
        %dma_start3A_69 = arith.constant 0 : i32
        %dma_start3A_70 = arith.constant 0 : i32
        %dma_start3A_71 = tpu.memref_slice %arg23[%arg1, %run_scoped3A_44, %dma_start3A_69, %dma_start3A_70] : memref<4x2x1000x16xf32, #tpu.memory_space<vmem_shared>> -> memref<1x1x1000x16xf32, #tpu.memory_space<vmem_shared>>
        %dma_start3A_72 = tpu.memref_squeeze %dma_start3A_71 : memref<1x1x1000x16xf32, #tpu.memory_space<vmem_shared>> -> memref<1000x16xf32, #tpu.memory_space<vmem_shared>>
        tpu.enqueue_dma source(%dma_start3A_72 : memref<1000x16xf32, #tpu.memory_space<vmem_shared>>) target(%arg8 : memref<1000x16xf32, #tpu.memory_space<vmem>>) target_semaphore(%run_scoped3A_65 : memref<!tpu.dma_semaphore, #tpu.memory_space<semaphore_mem>>)
        %dma_wait3A = arith.constant 0 : i32
        %dma_wait3A_73 = arith.constant 0 : i32
        %dma_wait3A_74 = tpu.memref_slice %arg23[%arg1, %run_scoped3A_44, %dma_wait3A, %dma_wait3A_73] : memref<4x2x1000x16xf32, #tpu.memory_space<vmem_shared>> -> memref<1x1x1000x16xf32, #tpu.memory_space<vmem_shared>>
        %dma_wait3A_75 = tpu.memref_squeeze %dma_wait3A_74 : memref<1x1x1000x16xf32, #tpu.memory_space<vmem_shared>> -> memref<1000x16xf32, #tpu.memory_space<vmem_shared>>
        %dma_wait3A_76 = arith.constant 0 : i32
        %dma_wait3A_77 = arith.constant 0 : i32
        %dma_wait3A_78 = tpu.memref_slice %arg23[%arg1, %run_scoped3A_44, %dma_wait3A_76, %dma_wait3A_77] : memref<4x2x1000x16xf32, #tpu.memory_space<vmem_shared>> -> memref<1x1x1000x16xf32, #tpu.memory_space<vmem_shared>>
        %dma_wait3A_79 = tpu.memref_squeeze %dma_wait3A_78 : memref<1x1x1000x16xf32, #tpu.memory_space<vmem_shared>> -> memref<1000x16xf32, #tpu.memory_space<vmem_shared>>
        tpu.wait_dma2 semaphore(%run_scoped3A_65 : memref<!tpu.dma_semaphore, #tpu.memory_space<semaphore_mem>>) src(%dma_wait3A_79 : memref<1000x16xf32, #tpu.memory_space<vmem_shared>>) dst(%arg8 : memref<1000x16xf32, #tpu.memory_space<vmem>>)
        tpu.yield
      }) : () -> ()
      %run_scoped3A_45 = arith.constant 1 : i32
      "tpu.region"() ({
        %run_scoped3A_65 = tpu.sem_alloc : memref<!tpu.dma_semaphore, #tpu.memory_space<semaphore_mem>>
        %dma_start3A = arith.constant 0 : i32
        %dma_start3A_66 = arith.constant 0 : i32
        %dma_start3A_67 = tpu.memref_slice %arg23[%arg1, %run_scoped3A_45, %dma_start3A, %dma_start3A_66] : memref<4x2x1000x16xf32, #tpu.memory_space<vmem_shared>> -> memref<1x1x1000x16xf32, #tpu.memory_space<vmem_shared>>
        %dma_start3A_68 = tpu.memref_squeeze %dma_start3A_67 : memref<1x1x1000x16xf32, #tpu.memory_space<vmem_shared>> -> memref<1000x16xf32, #tpu.memory_space<vmem_shared>>
        %dma_start3A_69 = arith.constant 0 : i32
        %dma_start3A_70 = arith.constant 0 : i32
        %dma_start3A_71 = tpu.memref_slice %arg23[%arg1, %run_scoped3A_45, %dma_start3A_69, %dma_start3A_70] : memref<4x2x1000x16xf32, #tpu.memory_space<vmem_shared>> -> memref<1x1x1000x16xf32, #tpu.memory_space<vmem_shared>>
        %dma_start3A_72 = tpu.memref_squeeze %dma_start3A_71 : memref<1x1x1000x16xf32, #tpu.memory_space<vmem_shared>> -> memref<1000x16xf32, #tpu.memory_space<vmem_shared>>
        tpu.enqueue_dma source(%arg9 : memref<1000x16xf32, #tpu.memory_space<vmem>>) target(%dma_start3A_72 : memref<1000x16xf32, #tpu.memory_space<vmem_shared>>) target_semaphore(%run_scoped3A_65 : memref<!tpu.dma_semaphore, #tpu.memory_space<semaphore_mem>>)
        %dma_wait3A = arith.constant 0 : i32
        %dma_wait3A_73 = arith.constant 0 : i32
        %dma_wait3A_74 = tpu.memref_slice %arg23[%arg1, %run_scoped3A_45, %dma_wait3A, %dma_wait3A_73] : memref<4x2x1000x16xf32, #tpu.memory_space<vmem_shared>> -> memref<1x1x1000x16xf32, #tpu.memory_space<vmem_shared>>
        %dma_wait3A_75 = tpu.memref_squeeze %dma_wait3A_74 : memref<1x1x1000x16xf32, #tpu.memory_space<vmem_shared>> -> memref<1000x16xf32, #tpu.memory_space<vmem_shared>>
        %dma_wait3A_76 = arith.constant 0 : i32
        %dma_wait3A_77 = arith.constant 0 : i32
        %dma_wait3A_78 = tpu.memref_slice %arg23[%arg1, %run_scoped3A_45, %dma_wait3A_76, %dma_wait3A_77] : memref<4x2x1000x16xf32, #tpu.memory_space<vmem_shared>> -> memref<1x1x1000x16xf32, #tpu.memory_space<vmem_shared>>
        %dma_wait3A_79 = tpu.memref_squeeze %dma_wait3A_78 : memref<1x1x1000x16xf32, #tpu.memory_space<vmem_shared>> -> memref<1000x16xf32, #tpu.memory_space<vmem_shared>>
        tpu.wait_dma2 semaphore(%run_scoped3A_65 : memref<!tpu.dma_semaphore, #tpu.memory_space<semaphore_mem>>) src(%arg9 : memref<1000x16xf32, #tpu.memory_space<vmem>>) dst(%dma_wait3A_79 : memref<1000x16xf32, #tpu.memory_space<vmem_shared>>)
        tpu.yield
      }) : () -> ()
      %run_scoped3A_46 = arith.constant 0 : i32
      "tpu.region"() ({
        %run_scoped3A_65 = tpu.sem_alloc : memref<!tpu.dma_semaphore, #tpu.memory_space<semaphore_mem>>
        %dma_start3A = arith.constant 0 : i32
        %dma_start3A_66 = arith.constant 0 : i32
        %dma_start3A_67 = tpu.memref_slice %arg23[%arg1, %run_scoped3A_46, %dma_start3A, %dma_start3A_66] : memref<4x2x1000x16xf32, #tpu.memory_space<vmem_shared>> -> memref<1x1x1000x16xf32, #tpu.memory_space<vmem_shared>>
        %dma_start3A_68 = tpu.memref_squeeze %dma_start3A_67 : memref<1x1x1000x16xf32, #tpu.memory_space<vmem_shared>> -> memref<1000x16xf32, #tpu.memory_space<vmem_shared>>
        %dma_start3A_69 = arith.constant 0 : i32
        %dma_start3A_70 = arith.constant 0 : i32
        %dma_start3A_71 = tpu.memref_slice %dma_start3A_68[%dma_start3A_69, %dma_start3A_70] : memref<1000x16xf32, #tpu.memory_space<vmem_shared>> -> memref<1000x16xf32, #tpu.memory_space<vmem_shared>>
        tpu.enqueue_indirect_dma source(%dma_start3A_71 : memref<1000x16xf32, #tpu.memory_space<vmem_shared>>) target(%arg11 : memref<512x16xf32, #tpu.memory_space<vmem>>) offsets(%arg15 : memref<512xi32, #tpu.memory_space<vmem>>) semaphore(%run_scoped3A_65 : memref<!tpu.dma_semaphore, #tpu.memory_space<semaphore_mem>>)
        %dma_wait3A = arith.constant 0 : i32
        %dma_wait3A_72 = arith.constant 0 : i32
        %dma_wait3A_73 = tpu.memref_slice %arg23[%arg1, %run_scoped3A_46, %dma_wait3A, %dma_wait3A_72] : memref<4x2x1000x16xf32, #tpu.memory_space<vmem_shared>> -> memref<1x1x1000x16xf32, #tpu.memory_space<vmem_shared>>
        %dma_wait3A_74 = tpu.memref_squeeze %dma_wait3A_73 : memref<1x1x1000x16xf32, #tpu.memory_space<vmem_shared>> -> memref<1000x16xf32, #tpu.memory_space<vmem_shared>>
        %dma_wait3A_75 = arith.constant 0 : i32
        %dma_wait3A_76 = arith.constant 0 : i32
        %dma_wait3A_77 = tpu.memref_slice %dma_wait3A_74[%dma_wait3A_75, %dma_wait3A_76] : memref<1000x16xf32, #tpu.memory_space<vmem_shared>> -> memref<1000x16xf32, #tpu.memory_space<vmem_shared>>
        tpu.wait_indirect_dma semaphore(%run_scoped3A_65 : memref<!tpu.dma_semaphore, #tpu.memory_space<semaphore_mem>>) src(%dma_wait3A_77 : memref<1000x16xf32, #tpu.memory_space<vmem_shared>>) dst(%arg11 : memref<512x16xf32, #tpu.memory_space<vmem>>)
        tpu.yield
      }) : () -> ()
      %parallel_loop3A_47 = arith.constant 0 : i32
      %parallel_loop3A_48 = arith.constant 512 : i32
      %parallel_loop3A_49 = arith.constant 1 : i32
      scf.for %parallel_loop3A_65 = %parallel_loop3A_47 to %parallel_loop3A_48 step %parallel_loop3A_49  : i32 {
        %parallel_loop3A_66 = arith.index_cast %parallel_loop3A_65 : i32 to index
        %parallel_loop3A_67 = arith.constant 0 : index
        %parallel_loop3A_68 = tpu.vector_load %arg11[%parallel_loop3A_66, %parallel_loop3A_67] {strides = array<i32>} : memref<512x16xf32, #tpu.memory_space<vmem>>, vector<16xf32>,
        %parallel_loop3A_69 = arith.index_cast %parallel_loop3A_65 : i32 to index
        %parallel_loop3A_70 = arith.constant 0 : index
        %parallel_loop3A_71 = tpu.vector_load %arg12[%parallel_loop3A_69, %parallel_loop3A_70] {strides = array<i32>} : memref<512x16xf32, #tpu.memory_space<vmem>>, vector<16xf32>,
        %parallel_loop3A_72 = arith.mulf %parallel_loop3A_68, %parallel_loop3A_71 : vector<16xf32>
        %parallel_loop3A_73 = arith.index_cast %parallel_loop3A_65 : i32 to index
        %parallel_loop3A_74 = arith.constant 0 : index
        %parallel_loop3A_75 = tpu.vector_load %arg11[%parallel_loop3A_73, %parallel_loop3A_74] {strides = array<i32>} : memref<512x16xf32, #tpu.memory_space<vmem>>, vector<16xf32>,
        tpu.vector_store %arg11[%parallel_loop3A_73, %parallel_loop3A_74], %parallel_loop3A_72 {strides = array<i32>} : memref<512x16xf32, #tpu.memory_space<vmem>>, vector<16xf32>,
      } {sc.loop_unroll_factor = 4 : i64, sc.parallel_access}
      %run_scoped3A_50 = arith.constant 1 : i32
      "tpu.region"() ({
        %run_scoped3A_65 = tpu.sem_alloc : memref<!tpu.dma_semaphore, #tpu.memory_space<semaphore_mem>>
        %dma_start3A = arith.constant 0 : i32
        %dma_start3A_66 = arith.constant 0 : i32
        %dma_start3A_67 = tpu.memref_slice %arg23[%arg1, %run_scoped3A_50, %dma_start3A, %dma_start3A_66] : memref<4x2x1000x16xf32, #tpu.memory_space<vmem_shared>> -> memref<1x1x1000x16xf32, #tpu.memory_space<vmem_shared>>
        %dma_start3A_68 = tpu.memref_squeeze %dma_start3A_67 : memref<1x1x1000x16xf32, #tpu.memory_space<vmem_shared>> -> memref<1000x16xf32, #tpu.memory_space<vmem_shared>>
        %dma_start3A_69 = arith.constant 0 : i32
        %dma_start3A_70 = arith.constant 0 : i32
        %dma_start3A_71 = tpu.memref_slice %dma_start3A_68[%dma_start3A_69, %dma_start3A_70] : memref<1000x16xf32, #tpu.memory_space<vmem_shared>> -> memref<1000x16xf32, #tpu.memory_space<vmem_shared>>
        tpu.enqueue_indirect_dma source(%arg11 : memref<512x16xf32, #tpu.memory_space<vmem>>) target(%dma_start3A_71 : memref<1000x16xf32, #tpu.memory_space<vmem_shared>>) offsets(%arg16 : memref<512xi32, #tpu.memory_space<vmem>>) semaphore(%run_scoped3A_65 : memref<!tpu.dma_semaphore, #tpu.memory_space<semaphore_mem>>) {add = true}
        %dma_wait3A = arith.constant 0 : i32
        %dma_wait3A_72 = arith.constant 0 : i32
        %dma_wait3A_73 = tpu.memref_slice %arg23[%arg1, %run_scoped3A_50, %dma_wait3A, %dma_wait3A_72] : memref<4x2x1000x16xf32, #tpu.memory_space<vmem_shared>> -> memref<1x1x1000x16xf32, #tpu.memory_space<vmem_shared>>
        %dma_wait3A_74 = tpu.memref_squeeze %dma_wait3A_73 : memref<1x1x1000x16xf32, #tpu.memory_space<vmem_shared>> -> memref<1000x16xf32, #tpu.memory_space<vmem_shared>>
        %dma_wait3A_75 = arith.constant 0 : i32
        %dma_wait3A_76 = arith.constant 0 : i32
        %dma_wait3A_77 = tpu.memref_slice %dma_wait3A_74[%dma_wait3A_75, %dma_wait3A_76] : memref<1000x16xf32, #tpu.memory_space<vmem_shared>> -> memref<1000x16xf32, #tpu.memory_space<vmem_shared>>
        tpu.wait_indirect_dma semaphore(%run_scoped3A_65 : memref<!tpu.dma_semaphore, #tpu.memory_space<semaphore_mem>>) src(%arg11 : memref<512x16xf32, #tpu.memory_space<vmem>>) dst(%dma_wait3A_77 : memref<1000x16xf32, #tpu.memory_space<vmem_shared>>)
        tpu.yield
      }) : () -> ()
      %run_scoped3A_51 = arith.constant 1 : i32
      "tpu.region"() ({
        %run_scoped3A_65 = tpu.sem_alloc : memref<!tpu.dma_semaphore, #tpu.memory_space<semaphore_mem>>
        %dma_start3A = arith.constant 0 : i32
        %dma_start3A_66 = arith.constant 0 : i32
        %dma_start3A_67 = tpu.memref_slice %arg23[%arg1, %run_scoped3A_51, %dma_start3A, %dma_start3A_66] : memref<4x2x1000x16xf32, #tpu.memory_space<vmem_shared>> -> memref<1x1x1000x16xf32, #tpu.memory_space<vmem_shared>>
        %dma_start3A_68 = tpu.memref_squeeze %dma_start3A_67 : memref<1x1x1000x16xf32, #tpu.memory_space<vmem_shared>> -> memref<1000x16xf32, #tpu.memory_space<vmem_shared>>
        %dma_start3A_69 = arith.constant 0 : i32
        %dma_start3A_70 = arith.constant 0 : i32
        %dma_start3A_71 = tpu.memref_slice %arg23[%arg1, %run_scoped3A_51, %dma_start3A_69, %dma_start3A_70] : memref<4x2x1000x16xf32, #tpu.memory_space<vmem_shared>> -> memref<1x1x1000x16xf32, #tpu.memory_space<vmem_shared>>
        %dma_start3A_72 = tpu.memref_squeeze %dma_start3A_71 : memref<1x1x1000x16xf32, #tpu.memory_space<vmem_shared>> -> memref<1000x16xf32, #tpu.memory_space<vmem_shared>>
        tpu.enqueue_dma source(%dma_start3A_72 : memref<1000x16xf32, #tpu.memory_space<vmem_shared>>) target(%arg9 : memref<1000x16xf32, #tpu.memory_space<vmem>>) target_semaphore(%run_scoped3A_65 : memref<!tpu.dma_semaphore, #tpu.memory_space<semaphore_mem>>)
        %dma_wait3A = arith.constant 0 : i32
        %dma_wait3A_73 = arith.constant 0 : i32
        %dma_wait3A_74 = tpu.memref_slice %arg23[%arg1, %run_scoped3A_51, %dma_wait3A, %dma_wait3A_73] : memref<4x2x1000x16xf32, #tpu.memory_space<vmem_shared>> -> memref<1x1x1000x16xf32, #tpu.memory_space<vmem_shared>>
        %dma_wait3A_75 = tpu.memref_squeeze %dma_wait3A_74 : memref<1x1x1000x16xf32, #tpu.memory_space<vmem_shared>> -> memref<1000x16xf32, #tpu.memory_space<vmem_shared>>
        %dma_wait3A_76 = arith.constant 0 : i32
        %dma_wait3A_77 = arith.constant 0 : i32
        %dma_wait3A_78 = tpu.memref_slice %arg23[%arg1, %run_scoped3A_51, %dma_wait3A_76, %dma_wait3A_77] : memref<4x2x1000x16xf32, #tpu.memory_space<vmem_shared>> -> memref<1x1x1000x16xf32, #tpu.memory_space<vmem_shared>>
        %dma_wait3A_79 = tpu.memref_squeeze %dma_wait3A_78 : memref<1x1x1000x16xf32, #tpu.memory_space<vmem_shared>> -> memref<1000x16xf32, #tpu.memory_space<vmem_shared>>
        tpu.wait_dma2 semaphore(%run_scoped3A_65 : memref<!tpu.dma_semaphore, #tpu.memory_space<semaphore_mem>>) src(%dma_wait3A_79 : memref<1000x16xf32, #tpu.memory_space<vmem_shared>>) dst(%arg9 : memref<1000x16xf32, #tpu.memory_space<vmem>>)
        tpu.yield
      }) : () -> ()
      %get3A = arith.constant 0 : index
      %get3A_52 = tpu.vector_load %arg17[%get3A] {strides = array<i32>} : memref<64xf32, #tpu.memory_space<vmem>>, vector<16xf32>,
      %get3A_53 = arith.constant 16 : index
      %get3A_54 = tpu.vector_load %arg17[%get3A_53] {strides = array<i32>} : memref<64xf32, #tpu.memory_space<vmem>>, vector<16xf32>,
      %get3A_55 = arith.constant 32 : index
      %get3A_56 = tpu.vector_load %arg17[%get3A_55] {strides = array<i32>} : memref<64xf32, #tpu.memory_space<vmem>>, vector<16xf32>,
      %get3A_57 = arith.constant 48 : index
      %get3A_58 = tpu.vector_load %arg17[%get3A_57] {strides = array<i32>} : memref<64xf32, #tpu.memory_space<vmem>>, vector<16xf32>,
      %parallel_loop3A_59 = arith.constant 0 : i32
      %parallel_loop3A_60 = arith.constant 1000 : i32
      %parallel_loop3A_61 = arith.constant 1 : i32
      scf.for %parallel_loop3A_65 = %parallel_loop3A_59 to %parallel_loop3A_60 step %parallel_loop3A_61  : i32 {
        %parallel_loop3A_66 = arith.index_cast %parallel_loop3A_65 : i32 to index
        %parallel_loop3A_67 = arith.constant 0 : index
        %parallel_loop3A_68 = tpu.vector_load %arg6[%parallel_loop3A_66, %parallel_loop3A_67] {strides = array<i32>} : memref<1000x16xf32, #tpu.memory_space<vmem>>, vector<16xf32>,
        %parallel_loop3A_69 = arith.mulf %get3A_52, %parallel_loop3A_68 : vector<16xf32>
        %parallel_loop3A_70 = arith.index_cast %parallel_loop3A_65 : i32 to index
        %parallel_loop3A_71 = arith.constant 0 : index
        %parallel_loop3A_72 = tpu.vector_load %arg7[%parallel_loop3A_70, %parallel_loop3A_71] {strides = array<i32>} : memref<1000x16xf32, #tpu.memory_space<vmem>>, vector<16xf32>,
        %parallel_loop3A_73 = arith.mulf %get3A_54, %parallel_loop3A_72 : vector<16xf32>
        %parallel_loop3A_74 = arith.addf %parallel_loop3A_69, %parallel_loop3A_73 : vector<16xf32>
        %parallel_loop3A_75 = arith.index_cast %parallel_loop3A_65 : i32 to index
        %parallel_loop3A_76 = arith.constant 0 : index
        %parallel_loop3A_77 = tpu.vector_load %arg8[%parallel_loop3A_75, %parallel_loop3A_76] {strides = array<i32>} : memref<1000x16xf32, #tpu.memory_space<vmem>>, vector<16xf32>,
        %parallel_loop3A_78 = arith.mulf %get3A_56, %parallel_loop3A_77 : vector<16xf32>
        %parallel_loop3A_79 = arith.addf %parallel_loop3A_74, %parallel_loop3A_78 : vector<16xf32>
        %parallel_loop3A_80 = arith.index_cast %parallel_loop3A_65 : i32 to index
        %parallel_loop3A_81 = arith.constant 0 : index
        %parallel_loop3A_82 = tpu.vector_load %arg9[%parallel_loop3A_80, %parallel_loop3A_81] {strides = array<i32>} : memref<1000x16xf32, #tpu.memory_space<vmem>>, vector<16xf32>,
        %parallel_loop3A_83 = arith.mulf %get3A_58, %parallel_loop3A_82 : vector<16xf32>
        %parallel_loop3A_84 = arith.addf %parallel_loop3A_79, %parallel_loop3A_83 : vector<16xf32>
        %parallel_loop3A_85 = arith.constant 16 : i32
        %parallel_loop3A_86 = arith.muli %parallel_loop3A_65, %parallel_loop3A_85 : i32
        %parallel_loop3A_87 = arith.index_cast %parallel_loop3A_86 : i32 to index
        %parallel_loop3A_88 = tpu.vector_load %arg10[%parallel_loop3A_87] {strides = array<i32>} : memref<16000xf32, #tpu.memory_space<vmem>>, vector<16xf32>,
        tpu.vector_store %arg10[%parallel_loop3A_87], %parallel_loop3A_84 {strides = array<i32>} : memref<16000xf32, #tpu.memory_space<vmem>>, vector<16xf32>,
      } {sc.loop_unroll_factor = 2 : i64, sc.parallel_access}
      %parallel_loop3A_62 = arith.constant 0 : i32
      %parallel_loop3A_63 = arith.constant 32 : i32
      %parallel_loop3A_64 = arith.constant 1 : i32
      scf.for %parallel_loop3A_65 = %parallel_loop3A_62 to %parallel_loop3A_63 step %parallel_loop3A_64  : i32 {
        %parallel_loop3A_66 = arith.constant 16 : i32
        %parallel_loop3A_67 = arith.muli %parallel_loop3A_65, %parallel_loop3A_66 : i32
        %parallel_loop3A_68 = arith.index_cast %parallel_loop3A_67 : i32 to index
        %parallel_loop3A_69 = tpu.vector_load %arg15[%parallel_loop3A_68] {strides = array<i32>} : memref<512xi32, #tpu.memory_space<vmem>>, vector<16xi32>,
        %parallel_loop3A_70 = arith.constant 16 : i32
        %parallel_loop3A_71 = vector.broadcast %parallel_loop3A_70 : i32 to vector<16xi32>
        %parallel_loop3A_72 = arith.muli %parallel_loop3A_69, %parallel_loop3A_71 : vector<16xi32>
        %parallel_loop3A_73 = arith.constant 16 : i32
        %parallel_loop3A_74 = arith.muli %parallel_loop3A_65, %parallel_loop3A_73 : i32
        %parallel_loop3A_75 = arith.index_cast %parallel_loop3A_74 : i32 to index
        %parallel_loop3A_76 = tpu.vector_load %arg16[%parallel_loop3A_75] {strides = array<i32>} : memref<512xi32, #tpu.memory_space<vmem>>, vector<16xi32>,
        %parallel_loop3A_77 = arith.constant 16 : i32
        %parallel_loop3A_78 = vector.broadcast %parallel_loop3A_77 : i32 to vector<16xi32>
        %parallel_loop3A_79 = arith.muli %parallel_loop3A_76, %parallel_loop3A_78 : vector<16xi32>
        %parallel_loop3A_80 = arith.constant 0 : i32
        %parallel_loop3A_81 = vector.broadcast %parallel_loop3A_80 : i32 to vector<16xi32>
        %parallel_loop3A_82 = arith.addi %parallel_loop3A_72, %parallel_loop3A_81 : vector<16xi32>
        %parallel_loop3A_83 = tpu.vector_load_idx %arg10[%parallel_loop3A_82] : memref<16000xf32, #tpu.memory_space<vmem>>[vector<16xi32>], vector<16xf32>,
        %parallel_loop3A_84 = arith.constant 0 : i32
        %parallel_loop3A_85 = vector.broadcast %parallel_loop3A_84 : i32 to vector<16xi32>
        %parallel_loop3A_86 = arith.addi %parallel_loop3A_79, %parallel_loop3A_85 : vector<16xi32>
        %parallel_loop3A_87 = tpu.vector_load_idx %arg10[%parallel_loop3A_86] : memref<16000xf32, #tpu.memory_space<vmem>>[vector<16xi32>], vector<16xf32>,
        %parallel_loop3A_88 = arith.mulf %parallel_loop3A_83, %parallel_loop3A_87 : vector<16xf32>
        %parallel_loop3A_89 = arith.addf %broadcast_in_dim3A_13, %parallel_loop3A_88 : vector<16xf32>
        %parallel_loop3A_90 = arith.constant 1 : i32
        %parallel_loop3A_91 = vector.broadcast %parallel_loop3A_90 : i32 to vector<16xi32>
        %parallel_loop3A_92 = arith.addi %parallel_loop3A_72, %parallel_loop3A_91 : vector<16xi32>
        %parallel_loop3A_93 = tpu.vector_load_idx %arg10[%parallel_loop3A_92] : memref<16000xf32, #tpu.memory_space<vmem>>[vector<16xi32>], vector<16xf32>,
        %parallel_loop3A_94 = arith.constant 1 : i32
        %parallel_loop3A_95 = vector.broadcast %parallel_loop3A_94 : i32 to vector<16xi32>
        %parallel_loop3A_96 = arith.addi %parallel_loop3A_79, %parallel_loop3A_95 : vector<16xi32>
        %parallel_loop3A_97 = tpu.vector_load_idx %arg10[%parallel_loop3A_96] : memref<16000xf32, #tpu.memory_space<vmem>>[vector<16xi32>], vector<16xf32>,
        %parallel_loop3A_98 = arith.mulf %parallel_loop3A_93, %parallel_loop3A_97 : vector<16xf32>
        %parallel_loop3A_99 = arith.addf %parallel_loop3A_89, %parallel_loop3A_98 : vector<16xf32>
        %parallel_loop3A_100 = arith.constant 2 : i32
        %parallel_loop3A_101 = vector.broadcast %parallel_loop3A_100 : i32 to vector<16xi32>
        %parallel_loop3A_102 = arith.addi %parallel_loop3A_72, %parallel_loop3A_101 : vector<16xi32>
        %parallel_loop3A_103 = tpu.vector_load_idx %arg10[%parallel_loop3A_102] : memref<16000xf32, #tpu.memory_space<vmem>>[vector<16xi32>], vector<16xf32>,
        %parallel_loop3A_104 = arith.constant 2 : i32
        %parallel_loop3A_105 = vector.broadcast %parallel_loop3A_104 : i32 to vector<16xi32>
        %parallel_loop3A_106 = arith.addi %parallel_loop3A_79, %parallel_loop3A_105 : vector<16xi32>
        %parallel_loop3A_107 = tpu.vector_load_idx %arg10[%parallel_loop3A_106] : memref<16000xf32, #tpu.memory_space<vmem>>[vector<16xi32>], vector<16xf32>,
        %parallel_loop3A_108 = arith.mulf %parallel_loop3A_103, %parallel_loop3A_107 : vector<16xf32>
        %parallel_loop3A_109 = arith.addf %parallel_loop3A_99, %parallel_loop3A_108 : vector<16xf32>
        %parallel_loop3A_110 = arith.constant 3 : i32
        %parallel_loop3A_111 = vector.broadcast %parallel_loop3A_110 : i32 to vector<16xi32>
        %parallel_loop3A_112 = arith.addi %parallel_loop3A_72, %parallel_loop3A_111 : vector<16xi32>
        %parallel_loop3A_113 = tpu.vector_load_idx %arg10[%parallel_loop3A_112] : memref<16000xf32, #tpu.memory_space<vmem>>[vector<16xi32>], vector<16xf32>,
        %parallel_loop3A_114 = arith.constant 3 : i32
        %parallel_loop3A_115 = vector.broadcast %parallel_loop3A_114 : i32 to vector<16xi32>
        %parallel_loop3A_116 = arith.addi %parallel_loop3A_79, %parallel_loop3A_115 : vector<16xi32>
        %parallel_loop3A_117 = tpu.vector_load_idx %arg10[%parallel_loop3A_116] : memref<16000xf32, #tpu.memory_space<vmem>>[vector<16xi32>], vector<16xf32>,
        %parallel_loop3A_118 = arith.mulf %parallel_loop3A_113, %parallel_loop3A_117 : vector<16xf32>
        %parallel_loop3A_119 = arith.addf %parallel_loop3A_109, %parallel_loop3A_118 : vector<16xf32>
        %parallel_loop3A_120 = arith.constant 4 : i32
        %parallel_loop3A_121 = vector.broadcast %parallel_loop3A_120 : i32 to vector<16xi32>
        %parallel_loop3A_122 = arith.addi %parallel_loop3A_72, %parallel_loop3A_121 : vector<16xi32>
        %parallel_loop3A_123 = tpu.vector_load_idx %arg10[%parallel_loop3A_122] : memref<16000xf32, #tpu.memory_space<vmem>>[vector<16xi32>], vector<16xf32>,
        %parallel_loop3A_124 = arith.constant 4 : i32
        %parallel_loop3A_125 = vector.broadcast %parallel_loop3A_124 : i32 to vector<16xi32>
        %parallel_loop3A_126 = arith.addi %parallel_loop3A_79, %parallel_loop3A_125 : vector<16xi32>
        %parallel_loop3A_127 = tpu.vector_load_idx %arg10[%parallel_loop3A_126] : memref<16000xf32, #tpu.memory_space<vmem>>[vector<16xi32>], vector<16xf32>,
        %parallel_loop3A_128 = arith.mulf %parallel_loop3A_123, %parallel_loop3A_127 : vector<16xf32>
        %parallel_loop3A_129 = arith.addf %parallel_loop3A_119, %parallel_loop3A_128 : vector<16xf32>
        %parallel_loop3A_130 = arith.constant 5 : i32
        %parallel_loop3A_131 = vector.broadcast %parallel_loop3A_130 : i32 to vector<16xi32>
        %parallel_loop3A_132 = arith.addi %parallel_loop3A_72, %parallel_loop3A_131 : vector<16xi32>
        %parallel_loop3A_133 = tpu.vector_load_idx %arg10[%parallel_loop3A_132] : memref<16000xf32, #tpu.memory_space<vmem>>[vector<16xi32>], vector<16xf32>,
        %parallel_loop3A_134 = arith.constant 5 : i32
        %parallel_loop3A_135 = vector.broadcast %parallel_loop3A_134 : i32 to vector<16xi32>
        %parallel_loop3A_136 = arith.addi %parallel_loop3A_79, %parallel_loop3A_135 : vector<16xi32>
        %parallel_loop3A_137 = tpu.vector_load_idx %arg10[%parallel_loop3A_136] : memref<16000xf32, #tpu.memory_space<vmem>>[vector<16xi32>], vector<16xf32>,
        %parallel_loop3A_138 = arith.mulf %parallel_loop3A_133, %parallel_loop3A_137 : vector<16xf32>
        %parallel_loop3A_139 = arith.addf %parallel_loop3A_129, %parallel_loop3A_138 : vector<16xf32>
        %parallel_loop3A_140 = arith.constant 6 : i32
        %parallel_loop3A_141 = vector.broadcast %parallel_loop3A_140 : i32 to vector<16xi32>
        %parallel_loop3A_142 = arith.addi %parallel_loop3A_72, %parallel_loop3A_141 : vector<16xi32>
        %parallel_loop3A_143 = tpu.vector_load_idx %arg10[%parallel_loop3A_142] : memref<16000xf32, #tpu.memory_space<vmem>>[vector<16xi32>], vector<16xf32>,
        %parallel_loop3A_144 = arith.constant 6 : i32
        %parallel_loop3A_145 = vector.broadcast %parallel_loop3A_144 : i32 to vector<16xi32>
        %parallel_loop3A_146 = arith.addi %parallel_loop3A_79, %parallel_loop3A_145 : vector<16xi32>
        %parallel_loop3A_147 = tpu.vector_load_idx %arg10[%parallel_loop3A_146] : memref<16000xf32, #tpu.memory_space<vmem>>[vector<16xi32>], vector<16xf32>,
        %parallel_loop3A_148 = arith.mulf %parallel_loop3A_143, %parallel_loop3A_147 : vector<16xf32>
        %parallel_loop3A_149 = arith.addf %parallel_loop3A_139, %parallel_loop3A_148 : vector<16xf32>
        %parallel_loop3A_150 = arith.constant 7 : i32
        %parallel_loop3A_151 = vector.broadcast %parallel_loop3A_150 : i32 to vector<16xi32>
        %parallel_loop3A_152 = arith.addi %parallel_loop3A_72, %parallel_loop3A_151 : vector<16xi32>
        %parallel_loop3A_153 = tpu.vector_load_idx %arg10[%parallel_loop3A_152] : memref<16000xf32, #tpu.memory_space<vmem>>[vector<16xi32>], vector<16xf32>,
        %parallel_loop3A_154 = arith.constant 7 : i32
        %parallel_loop3A_155 = vector.broadcast %parallel_loop3A_154 : i32 to vector<16xi32>
        %parallel_loop3A_156 = arith.addi %parallel_loop3A_79, %parallel_loop3A_155 : vector<16xi32>
        %parallel_loop3A_157 = tpu.vector_load_idx %arg10[%parallel_loop3A_156] : memref<16000xf32, #tpu.memory_space<vmem>>[vector<16xi32>], vector<16xf32>,
        %parallel_loop3A_158 = arith.mulf %parallel_loop3A_153, %parallel_loop3A_157 : vector<16xf32>
        %parallel_loop3A_159 = arith.addf %parallel_loop3A_149, %parallel_loop3A_158 : vector<16xf32>
        %parallel_loop3A_160 = arith.constant 8 : i32
        %parallel_loop3A_161 = vector.broadcast %parallel_loop3A_160 : i32 to vector<16xi32>
        %parallel_loop3A_162 = arith.addi %parallel_loop3A_72, %parallel_loop3A_161 : vector<16xi32>
        %parallel_loop3A_163 = tpu.vector_load_idx %arg10[%parallel_loop3A_162] : memref<16000xf32, #tpu.memory_space<vmem>>[vector<16xi32>], vector<16xf32>,
        %parallel_loop3A_164 = arith.constant 8 : i32
        %parallel_loop3A_165 = vector.broadcast %parallel_loop3A_164 : i32 to vector<16xi32>
        %parallel_loop3A_166 = arith.addi %parallel_loop3A_79, %parallel_loop3A_165 : vector<16xi32>
        %parallel_loop3A_167 = tpu.vector_load_idx %arg10[%parallel_loop3A_166] : memref<16000xf32, #tpu.memory_space<vmem>>[vector<16xi32>], vector<16xf32>,
        %parallel_loop3A_168 = arith.mulf %parallel_loop3A_163, %parallel_loop3A_167 : vector<16xf32>
        %parallel_loop3A_169 = arith.addf %parallel_loop3A_159, %parallel_loop3A_168 : vector<16xf32>
        %parallel_loop3A_170 = arith.constant 9 : i32
        %parallel_loop3A_171 = vector.broadcast %parallel_loop3A_170 : i32 to vector<16xi32>
        %parallel_loop3A_172 = arith.addi %parallel_loop3A_72, %parallel_loop3A_171 : vector<16xi32>
        %parallel_loop3A_173 = tpu.vector_load_idx %arg10[%parallel_loop3A_172] : memref<16000xf32, #tpu.memory_space<vmem>>[vector<16xi32>], vector<16xf32>,
        %parallel_loop3A_174 = arith.constant 9 : i32
        %parallel_loop3A_175 = vector.broadcast %parallel_loop3A_174 : i32 to vector<16xi32>
        %parallel_loop3A_176 = arith.addi %parallel_loop3A_79, %parallel_loop3A_175 : vector<16xi32>
        %parallel_loop3A_177 = tpu.vector_load_idx %arg10[%parallel_loop3A_176] : memref<16000xf32, #tpu.memory_space<vmem>>[vector<16xi32>], vector<16xf32>,
        %parallel_loop3A_178 = arith.mulf %parallel_loop3A_173, %parallel_loop3A_177 : vector<16xf32>
        %parallel_loop3A_179 = arith.addf %parallel_loop3A_169, %parallel_loop3A_178 : vector<16xf32>
        %parallel_loop3A_180 = arith.constant 10 : i32
        %parallel_loop3A_181 = vector.broadcast %parallel_loop3A_180 : i32 to vector<16xi32>
        %parallel_loop3A_182 = arith.addi %parallel_loop3A_72, %parallel_loop3A_181 : vector<16xi32>
        %parallel_loop3A_183 = tpu.vector_load_idx %arg10[%parallel_loop3A_182] : memref<16000xf32, #tpu.memory_space<vmem>>[vector<16xi32>], vector<16xf32>,
        %parallel_loop3A_184 = arith.constant 10 : i32
        %parallel_loop3A_185 = vector.broadcast %parallel_loop3A_184 : i32 to vector<16xi32>
        %parallel_loop3A_186 = arith.addi %parallel_loop3A_79, %parallel_loop3A_185 : vector<16xi32>
        %parallel_loop3A_187 = tpu.vector_load_idx %arg10[%parallel_loop3A_186] : memref<16000xf32, #tpu.memory_space<vmem>>[vector<16xi32>], vector<16xf32>,
        %parallel_loop3A_188 = arith.mulf %parallel_loop3A_183, %parallel_loop3A_187 : vector<16xf32>
        %parallel_loop3A_189 = arith.addf %parallel_loop3A_179, %parallel_loop3A_188 : vector<16xf32>
        %parallel_loop3A_190 = arith.constant 11 : i32
        %parallel_loop3A_191 = vector.broadcast %parallel_loop3A_190 : i32 to vector<16xi32>
        %parallel_loop3A_192 = arith.addi %parallel_loop3A_72, %parallel_loop3A_191 : vector<16xi32>
        %parallel_loop3A_193 = tpu.vector_load_idx %arg10[%parallel_loop3A_192] : memref<16000xf32, #tpu.memory_space<vmem>>[vector<16xi32>], vector<16xf32>,
        %parallel_loop3A_194 = arith.constant 11 : i32
        %parallel_loop3A_195 = vector.broadcast %parallel_loop3A_194 : i32 to vector<16xi32>
        %parallel_loop3A_196 = arith.addi %parallel_loop3A_79, %parallel_loop3A_195 : vector<16xi32>
        %parallel_loop3A_197 = tpu.vector_load_idx %arg10[%parallel_loop3A_196] : memref<16000xf32, #tpu.memory_space<vmem>>[vector<16xi32>], vector<16xf32>,
        %parallel_loop3A_198 = arith.mulf %parallel_loop3A_193, %parallel_loop3A_197 : vector<16xf32>
        %parallel_loop3A_199 = arith.addf %parallel_loop3A_189, %parallel_loop3A_198 : vector<16xf32>
        %parallel_loop3A_200 = arith.constant 12 : i32
        %parallel_loop3A_201 = vector.broadcast %parallel_loop3A_200 : i32 to vector<16xi32>
        %parallel_loop3A_202 = arith.addi %parallel_loop3A_72, %parallel_loop3A_201 : vector<16xi32>
        %parallel_loop3A_203 = tpu.vector_load_idx %arg10[%parallel_loop3A_202] : memref<16000xf32, #tpu.memory_space<vmem>>[vector<16xi32>], vector<16xf32>,
        %parallel_loop3A_204 = arith.constant 12 : i32
        %parallel_loop3A_205 = vector.broadcast %parallel_loop3A_204 : i32 to vector<16xi32>
        %parallel_loop3A_206 = arith.addi %parallel_loop3A_79, %parallel_loop3A_205 : vector<16xi32>
        %parallel_loop3A_207 = tpu.vector_load_idx %arg10[%parallel_loop3A_206] : memref<16000xf32, #tpu.memory_space<vmem>>[vector<16xi32>], vector<16xf32>,
        %parallel_loop3A_208 = arith.mulf %parallel_loop3A_203, %parallel_loop3A_207 : vector<16xf32>
        %parallel_loop3A_209 = arith.addf %parallel_loop3A_199, %parallel_loop3A_208 : vector<16xf32>
        %parallel_loop3A_210 = arith.constant 13 : i32
        %parallel_loop3A_211 = vector.broadcast %parallel_loop3A_210 : i32 to vector<16xi32>
        %parallel_loop3A_212 = arith.addi %parallel_loop3A_72, %parallel_loop3A_211 : vector<16xi32>
        %parallel_loop3A_213 = tpu.vector_load_idx %arg10[%parallel_loop3A_212] : memref<16000xf32, #tpu.memory_space<vmem>>[vector<16xi32>], vector<16xf32>,
        %parallel_loop3A_214 = arith.constant 13 : i32
        %parallel_loop3A_215 = vector.broadcast %parallel_loop3A_214 : i32 to vector<16xi32>
        %parallel_loop3A_216 = arith.addi %parallel_loop3A_79, %parallel_loop3A_215 : vector<16xi32>
        %parallel_loop3A_217 = tpu.vector_load_idx %arg10[%parallel_loop3A_216] : memref<16000xf32, #tpu.memory_space<vmem>>[vector<16xi32>], vector<16xf32>,
        %parallel_loop3A_218 = arith.mulf %parallel_loop3A_213, %parallel_loop3A_217 : vector<16xf32>
        %parallel_loop3A_219 = arith.addf %parallel_loop3A_209, %parallel_loop3A_218 : vector<16xf32>
        %parallel_loop3A_220 = arith.constant 14 : i32
        %parallel_loop3A_221 = vector.broadcast %parallel_loop3A_220 : i32 to vector<16xi32>
        %parallel_loop3A_222 = arith.addi %parallel_loop3A_72, %parallel_loop3A_221 : vector<16xi32>
        %parallel_loop3A_223 = tpu.vector_load_idx %arg10[%parallel_loop3A_222] : memref<16000xf32, #tpu.memory_space<vmem>>[vector<16xi32>], vector<16xf32>,
        %parallel_loop3A_224 = arith.constant 14 : i32
        %parallel_loop3A_225 = vector.broadcast %parallel_loop3A_224 : i32 to vector<16xi32>
        %parallel_loop3A_226 = arith.addi %parallel_loop3A_79, %parallel_loop3A_225 : vector<16xi32>
        %parallel_loop3A_227 = tpu.vector_load_idx %arg10[%parallel_loop3A_226] : memref<16000xf32, #tpu.memory_space<vmem>>[vector<16xi32>], vector<16xf32>,
        %parallel_loop3A_228 = arith.mulf %parallel_loop3A_223, %parallel_loop3A_227 : vector<16xf32>
        %parallel_loop3A_229 = arith.addf %parallel_loop3A_219, %parallel_loop3A_228 : vector<16xf32>
        %parallel_loop3A_230 = arith.constant 15 : i32
        %parallel_loop3A_231 = vector.broadcast %parallel_loop3A_230 : i32 to vector<16xi32>
        %parallel_loop3A_232 = arith.addi %parallel_loop3A_72, %parallel_loop3A_231 : vector<16xi32>
        %parallel_loop3A_233 = tpu.vector_load_idx %arg10[%parallel_loop3A_232] : memref<16000xf32, #tpu.memory_space<vmem>>[vector<16xi32>], vector<16xf32>,
        %parallel_loop3A_234 = arith.constant 15 : i32
        %parallel_loop3A_235 = vector.broadcast %parallel_loop3A_234 : i32 to vector<16xi32>
        %parallel_loop3A_236 = arith.addi %parallel_loop3A_79, %parallel_loop3A_235 : vector<16xi32>
        %parallel_loop3A_237 = tpu.vector_load_idx %arg10[%parallel_loop3A_236] : memref<16000xf32, #tpu.memory_space<vmem>>[vector<16xi32>], vector<16xf32>,
        %parallel_loop3A_238 = arith.mulf %parallel_loop3A_233, %parallel_loop3A_237 : vector<16xf32>
        %parallel_loop3A_239 = arith.addf %parallel_loop3A_229, %parallel_loop3A_238 : vector<16xf32>
        %parallel_loop3A_240 = arith.constant 16 : i32
        %parallel_loop3A_241 = arith.muli %parallel_loop3A_65, %parallel_loop3A_240 : i32
        %parallel_loop3A_242 = arith.index_cast %parallel_loop3A_241 : i32 to index
        %parallel_loop3A_243 = tpu.vector_load %arg19[%parallel_loop3A_242] {strides = array<i32>} : memref<512xf32, #tpu.memory_space<vmem>>, vector<16xf32>,
        tpu.vector_store %arg19[%parallel_loop3A_242], %parallel_loop3A_239 {strides = array<i32>} : memref<512xf32, #tpu.memory_space<vmem>>, vector<16xf32>,
      } {sc.loop_unroll_factor = 1 : i64, sc.parallel_access}
      "tpu.region"() ({
        %run_scoped3A_65 = tpu.sem_alloc : memref<!tpu.dma_semaphore, #tpu.memory_space<semaphore_mem>>
        %dma_start3A = arith.constant 0 : i32
        %dma_start3A_66 = tpu.memref_slice %arg24[%arg1, %dma_start3A] : memref<4x512xf32, #tpu.memory_space<vmem_shared>> -> memref<1x512xf32, #tpu.memory_space<vmem_shared>>
        %dma_start3A_67 = tpu.memref_squeeze %dma_start3A_66 : memref<1x512xf32, #tpu.memory_space<vmem_shared>> -> memref<512xf32, #tpu.memory_space<vmem_shared>>
        %dma_start3A_68 = arith.constant 0 : i32
        %dma_start3A_69 = tpu.memref_slice %arg24[%arg1, %dma_start3A_68] : memref<4x512xf32, #tpu.memory_space<vmem_shared>> -> memref<1x512xf32, #tpu.memory_space<vmem_shared>>
        %dma_start3A_70 = tpu.memref_squeeze %dma_start3A_69 : memref<1x512xf32, #tpu.memory_space<vmem_shared>> -> memref<512xf32, #tpu.memory_space<vmem_shared>>
        tpu.enqueue_dma source(%arg19 : memref<512xf32, #tpu.memory_space<vmem>>) target(%dma_start3A_70 : memref<512xf32, #tpu.memory_space<vmem_shared>>) target_semaphore(%run_scoped3A_65 : memref<!tpu.dma_semaphore, #tpu.memory_space<semaphore_mem>>)
        %dma_wait3A = arith.constant 0 : i32
        %dma_wait3A_71 = tpu.memref_slice %arg24[%arg1, %dma_wait3A] : memref<4x512xf32, #tpu.memory_space<vmem_shared>> -> memref<1x512xf32, #tpu.memory_space<vmem_shared>>
        %dma_wait3A_72 = tpu.memref_squeeze %dma_wait3A_71 : memref<1x512xf32, #tpu.memory_space<vmem_shared>> -> memref<512xf32, #tpu.memory_space<vmem_shared>>
        %dma_wait3A_73 = arith.constant 0 : i32
        %dma_wait3A_74 = tpu.memref_slice %arg24[%arg1, %dma_wait3A_73] : memref<4x512xf32, #tpu.memory_space<vmem_shared>> -> memref<1x512xf32, #tpu.memory_space<vmem_shared>>
        %dma_wait3A_75 = tpu.memref_squeeze %dma_wait3A_74 : memref<1x512xf32, #tpu.memory_space<vmem_shared>> -> memref<512xf32, #tpu.memory_space<vmem_shared>>
        tpu.wait_dma2 semaphore(%run_scoped3A_65 : memref<!tpu.dma_semaphore, #tpu.memory_space<semaphore_mem>>) src(%arg19 : memref<512xf32, #tpu.memory_space<vmem>>) dst(%dma_wait3A_75 : memref<512xf32, #tpu.memory_space<vmem_shared>>)
        tpu.yield
      }) : () -> ()
    } else {
    }
    %barrier3A = arith.constant 0 : index
    tpu.barrier barrier_id(%barrier3A)
    %eq3A_3 = arith.constant 0 : i32
    %eq3A_4 = arith.cmpi eq, %arg0, %eq3A_3 : i32
    %eq3A_5 = arith.constant 0 : i32
    %eq3A_6 = arith.cmpi eq, %arg1, %eq3A_5 : i32
    %and3A_7 = arith.andi %eq3A_4, %eq3A_6 : i1
    %convert_element_type3A_8 = arith.extui %and3A_7 : i1 to i32
    %cond3A_9 = arith.constant 0 : i32
    %cond3A_10 = arith.cmpi ne, %convert_element_type3A_8, %cond3A_9 : i32
    scf.if %cond3A_10 {
      %run_scoped3A = arith.constant 1 : i32
      "tpu.region"() ({
        %run_scoped3A_21 = tpu.sem_alloc : memref<!tpu.dma_semaphore, #tpu.memory_space<semaphore_mem>>
        %dma_start3A = arith.constant 0 : i32
        %dma_start3A_22 = tpu.memref_slice %arg24[%run_scoped3A, %dma_start3A] : memref<4x512xf32, #tpu.memory_space<vmem_shared>> -> memref<1x512xf32, #tpu.memory_space<vmem_shared>>
        %dma_start3A_23 = tpu.memref_squeeze %dma_start3A_22 : memref<1x512xf32, #tpu.memory_space<vmem_shared>> -> memref<512xf32, #tpu.memory_space<vmem_shared>>
        %dma_start3A_24 = arith.constant 0 : i32
        %dma_start3A_25 = tpu.memref_slice %arg24[%run_scoped3A, %dma_start3A_24] : memref<4x512xf32, #tpu.memory_space<vmem_shared>> -> memref<1x512xf32, #tpu.memory_space<vmem_shared>>
        %dma_start3A_26 = tpu.memref_squeeze %dma_start3A_25 : memref<1x512xf32, #tpu.memory_space<vmem_shared>> -> memref<512xf32, #tpu.memory_space<vmem_shared>>
        tpu.enqueue_dma source(%dma_start3A_26 : memref<512xf32, #tpu.memory_space<vmem_shared>>) target(%arg20 : memref<512xf32, #tpu.memory_space<vmem>>) target_semaphore(%run_scoped3A_21 : memref<!tpu.dma_semaphore, #tpu.memory_space<semaphore_mem>>)
        %dma_wait3A = arith.constant 0 : i32
        %dma_wait3A_27 = tpu.memref_slice %arg24[%run_scoped3A, %dma_wait3A] : memref<4x512xf32, #tpu.memory_space<vmem_shared>> -> memref<1x512xf32, #tpu.memory_space<vmem_shared>>
        %dma_wait3A_28 = tpu.memref_squeeze %dma_wait3A_27 : memref<1x512xf32, #tpu.memory_space<vmem_shared>> -> memref<512xf32, #tpu.memory_space<vmem_shared>>
        %dma_wait3A_29 = arith.constant 0 : i32
        %dma_wait3A_30 = tpu.memref_slice %arg24[%run_scoped3A, %dma_wait3A_29] : memref<4x512xf32, #tpu.memory_space<vmem_shared>> -> memref<1x512xf32, #tpu.memory_space<vmem_shared>>
        %dma_wait3A_31 = tpu.memref_squeeze %dma_wait3A_30 : memref<1x512xf32, #tpu.memory_space<vmem_shared>> -> memref<512xf32, #tpu.memory_space<vmem_shared>>
        tpu.wait_dma2 semaphore(%run_scoped3A_21 : memref<!tpu.dma_semaphore, #tpu.memory_space<semaphore_mem>>) src(%dma_wait3A_31 : memref<512xf32, #tpu.memory_space<vmem_shared>>) dst(%arg20 : memref<512xf32, #tpu.memory_space<vmem>>)
        tpu.yield
      }) : () -> ()
      %parallel_loop3A = arith.constant 0 : i32
      %parallel_loop3A_11 = arith.constant 32 : i32
      %parallel_loop3A_12 = arith.constant 1 : i32
      scf.for %parallel_loop3A_21 = %parallel_loop3A to %parallel_loop3A_11 step %parallel_loop3A_12  : i32 {
        %parallel_loop3A_22 = arith.constant 16 : i32
        %parallel_loop3A_23 = arith.muli %parallel_loop3A_21, %parallel_loop3A_22 : i32
        %parallel_loop3A_24 = arith.index_cast %parallel_loop3A_23 : i32 to index
        %parallel_loop3A_25 = tpu.vector_load %arg19[%parallel_loop3A_24] {strides = array<i32>} : memref<512xf32, #tpu.memory_space<vmem>>, vector<16xf32>,
        %parallel_loop3A_26 = arith.constant 16 : i32
        %parallel_loop3A_27 = arith.muli %parallel_loop3A_21, %parallel_loop3A_26 : i32
        %parallel_loop3A_28 = arith.index_cast %parallel_loop3A_27 : i32 to index
        %parallel_loop3A_29 = tpu.vector_load %arg20[%parallel_loop3A_28] {strides = array<i32>} : memref<512xf32, #tpu.memory_space<vmem>>, vector<16xf32>,
        %parallel_loop3A_30 = arith.addf %parallel_loop3A_25, %parallel_loop3A_29 : vector<16xf32>
        %parallel_loop3A_31 = arith.constant 16 : i32
        %parallel_loop3A_32 = arith.muli %parallel_loop3A_21, %parallel_loop3A_31 : i32
        %parallel_loop3A_33 = arith.index_cast %parallel_loop3A_32 : i32 to index
        %parallel_loop3A_34 = tpu.vector_load %arg19[%parallel_loop3A_33] {strides = array<i32>} : memref<512xf32, #tpu.memory_space<vmem>>, vector<16xf32>,
        tpu.vector_store %arg19[%parallel_loop3A_33], %parallel_loop3A_30 {strides = array<i32>} : memref<512xf32, #tpu.memory_space<vmem>>, vector<16xf32>,
      } {sc.loop_unroll_factor = 2 : i64, sc.parallel_access}
      %run_scoped3A_13 = arith.constant 2 : i32
      "tpu.region"() ({
        %run_scoped3A_21 = tpu.sem_alloc : memref<!tpu.dma_semaphore, #tpu.memory_space<semaphore_mem>>
        %dma_start3A = arith.constant 0 : i32
        %dma_start3A_22 = tpu.memref_slice %arg24[%run_scoped3A_13, %dma_start3A] : memref<4x512xf32, #tpu.memory_space<vmem_shared>> -> memref<1x512xf32, #tpu.memory_space<vmem_shared>>
        %dma_start3A_23 = tpu.memref_squeeze %dma_start3A_22 : memref<1x512xf32, #tpu.memory_space<vmem_shared>> -> memref<512xf32, #tpu.memory_space<vmem_shared>>
        %dma_start3A_24 = arith.constant 0 : i32
        %dma_start3A_25 = tpu.memref_slice %arg24[%run_scoped3A_13, %dma_start3A_24] : memref<4x512xf32, #tpu.memory_space<vmem_shared>> -> memref<1x512xf32, #tpu.memory_space<vmem_shared>>
        %dma_start3A_26 = tpu.memref_squeeze %dma_start3A_25 : memref<1x512xf32, #tpu.memory_space<vmem_shared>> -> memref<512xf32, #tpu.memory_space<vmem_shared>>
        tpu.enqueue_dma source(%dma_start3A_26 : memref<512xf32, #tpu.memory_space<vmem_shared>>) target(%arg20 : memref<512xf32, #tpu.memory_space<vmem>>) target_semaphore(%run_scoped3A_21 : memref<!tpu.dma_semaphore, #tpu.memory_space<semaphore_mem>>)
        %dma_wait3A = arith.constant 0 : i32
        %dma_wait3A_27 = tpu.memref_slice %arg24[%run_scoped3A_13, %dma_wait3A] : memref<4x512xf32, #tpu.memory_space<vmem_shared>> -> memref<1x512xf32, #tpu.memory_space<vmem_shared>>
        %dma_wait3A_28 = tpu.memref_squeeze %dma_wait3A_27 : memref<1x512xf32, #tpu.memory_space<vmem_shared>> -> memref<512xf32, #tpu.memory_space<vmem_shared>>
        %dma_wait3A_29 = arith.constant 0 : i32
        %dma_wait3A_30 = tpu.memref_slice %arg24[%run_scoped3A_13, %dma_wait3A_29] : memref<4x512xf32, #tpu.memory_space<vmem_shared>> -> memref<1x512xf32, #tpu.memory_space<vmem_shared>>
        %dma_wait3A_31 = tpu.memref_squeeze %dma_wait3A_30 : memref<1x512xf32, #tpu.memory_space<vmem_shared>> -> memref<512xf32, #tpu.memory_space<vmem_shared>>
        tpu.wait_dma2 semaphore(%run_scoped3A_21 : memref<!tpu.dma_semaphore, #tpu.memory_space<semaphore_mem>>) src(%dma_wait3A_31 : memref<512xf32, #tpu.memory_space<vmem_shared>>) dst(%arg20 : memref<512xf32, #tpu.memory_space<vmem>>)
        tpu.yield
      }) : () -> ()
      %parallel_loop3A_14 = arith.constant 0 : i32
      %parallel_loop3A_15 = arith.constant 32 : i32
      %parallel_loop3A_16 = arith.constant 1 : i32
      scf.for %parallel_loop3A_21 = %parallel_loop3A_14 to %parallel_loop3A_15 step %parallel_loop3A_16  : i32 {
        %parallel_loop3A_22 = arith.constant 16 : i32
        %parallel_loop3A_23 = arith.muli %parallel_loop3A_21, %parallel_loop3A_22 : i32
        %parallel_loop3A_24 = arith.index_cast %parallel_loop3A_23 : i32 to index
        %parallel_loop3A_25 = tpu.vector_load %arg19[%parallel_loop3A_24] {strides = array<i32>} : memref<512xf32, #tpu.memory_space<vmem>>, vector<16xf32>,
        %parallel_loop3A_26 = arith.constant 16 : i32
        %parallel_loop3A_27 = arith.muli %parallel_loop3A_21, %parallel_loop3A_26 : i32
        %parallel_loop3A_28 = arith.index_cast %parallel_loop3A_27 : i32 to index
        %parallel_loop3A_29 = tpu.vector_load %arg20[%parallel_loop3A_28] {strides = array<i32>} : memref<512xf32, #tpu.memory_space<vmem>>, vector<16xf32>,
        %parallel_loop3A_30 = arith.addf %parallel_loop3A_25, %parallel_loop3A_29 : vector<16xf32>
        %parallel_loop3A_31 = arith.constant 16 : i32
        %parallel_loop3A_32 = arith.muli %parallel_loop3A_21, %parallel_loop3A_31 : i32
        %parallel_loop3A_33 = arith.index_cast %parallel_loop3A_32 : i32 to index
        %parallel_loop3A_34 = tpu.vector_load %arg19[%parallel_loop3A_33] {strides = array<i32>} : memref<512xf32, #tpu.memory_space<vmem>>, vector<16xf32>,
        tpu.vector_store %arg19[%parallel_loop3A_33], %parallel_loop3A_30 {strides = array<i32>} : memref<512xf32, #tpu.memory_space<vmem>>, vector<16xf32>,
      } {sc.loop_unroll_factor = 2 : i64, sc.parallel_access}
      %run_scoped3A_17 = arith.constant 3 : i32
      "tpu.region"() ({
        %run_scoped3A_21 = tpu.sem_alloc : memref<!tpu.dma_semaphore, #tpu.memory_space<semaphore_mem>>
        %dma_start3A = arith.constant 0 : i32
        %dma_start3A_22 = tpu.memref_slice %arg24[%run_scoped3A_17, %dma_start3A] : memref<4x512xf32, #tpu.memory_space<vmem_shared>> -> memref<1x512xf32, #tpu.memory_space<vmem_shared>>
        %dma_start3A_23 = tpu.memref_squeeze %dma_start3A_22 : memref<1x512xf32, #tpu.memory_space<vmem_shared>> -> memref<512xf32, #tpu.memory_space<vmem_shared>>
        %dma_start3A_24 = arith.constant 0 : i32
        %dma_start3A_25 = tpu.memref_slice %arg24[%run_scoped3A_17, %dma_start3A_24] : memref<4x512xf32, #tpu.memory_space<vmem_shared>> -> memref<1x512xf32, #tpu.memory_space<vmem_shared>>
        %dma_start3A_26 = tpu.memref_squeeze %dma_start3A_25 : memref<1x512xf32, #tpu.memory_space<vmem_shared>> -> memref<512xf32, #tpu.memory_space<vmem_shared>>
        tpu.enqueue_dma source(%dma_start3A_26 : memref<512xf32, #tpu.memory_space<vmem_shared>>) target(%arg20 : memref<512xf32, #tpu.memory_space<vmem>>) target_semaphore(%run_scoped3A_21 : memref<!tpu.dma_semaphore, #tpu.memory_space<semaphore_mem>>)
        %dma_wait3A = arith.constant 0 : i32
        %dma_wait3A_27 = tpu.memref_slice %arg24[%run_scoped3A_17, %dma_wait3A] : memref<4x512xf32, #tpu.memory_space<vmem_shared>> -> memref<1x512xf32, #tpu.memory_space<vmem_shared>>
        %dma_wait3A_28 = tpu.memref_squeeze %dma_wait3A_27 : memref<1x512xf32, #tpu.memory_space<vmem_shared>> -> memref<512xf32, #tpu.memory_space<vmem_shared>>
        %dma_wait3A_29 = arith.constant 0 : i32
        %dma_wait3A_30 = tpu.memref_slice %arg24[%run_scoped3A_17, %dma_wait3A_29] : memref<4x512xf32, #tpu.memory_space<vmem_shared>> -> memref<1x512xf32, #tpu.memory_space<vmem_shared>>
        %dma_wait3A_31 = tpu.memref_squeeze %dma_wait3A_30 : memref<1x512xf32, #tpu.memory_space<vmem_shared>> -> memref<512xf32, #tpu.memory_space<vmem_shared>>
        tpu.wait_dma2 semaphore(%run_scoped3A_21 : memref<!tpu.dma_semaphore, #tpu.memory_space<semaphore_mem>>) src(%dma_wait3A_31 : memref<512xf32, #tpu.memory_space<vmem_shared>>) dst(%arg20 : memref<512xf32, #tpu.memory_space<vmem>>)
        tpu.yield
      }) : () -> ()
      %parallel_loop3A_18 = arith.constant 0 : i32
      %parallel_loop3A_19 = arith.constant 32 : i32
      %parallel_loop3A_20 = arith.constant 1 : i32
      scf.for %parallel_loop3A_21 = %parallel_loop3A_18 to %parallel_loop3A_19 step %parallel_loop3A_20  : i32 {
        %parallel_loop3A_22 = arith.constant 16 : i32
        %parallel_loop3A_23 = arith.muli %parallel_loop3A_21, %parallel_loop3A_22 : i32
        %parallel_loop3A_24 = arith.index_cast %parallel_loop3A_23 : i32 to index
        %parallel_loop3A_25 = tpu.vector_load %arg19[%parallel_loop3A_24] {strides = array<i32>} : memref<512xf32, #tpu.memory_space<vmem>>, vector<16xf32>,
        %parallel_loop3A_26 = arith.constant 16 : i32
        %parallel_loop3A_27 = arith.muli %parallel_loop3A_21, %parallel_loop3A_26 : i32
        %parallel_loop3A_28 = arith.index_cast %parallel_loop3A_27 : i32 to index
        %parallel_loop3A_29 = tpu.vector_load %arg20[%parallel_loop3A_28] {strides = array<i32>} : memref<512xf32, #tpu.memory_space<vmem>>, vector<16xf32>,
        %parallel_loop3A_30 = arith.addf %parallel_loop3A_25, %parallel_loop3A_29 : vector<16xf32>
        %parallel_loop3A_31 = arith.constant 16 : i32
        %parallel_loop3A_32 = arith.muli %parallel_loop3A_21, %parallel_loop3A_31 : i32
        %parallel_loop3A_33 = arith.index_cast %parallel_loop3A_32 : i32 to index
        %parallel_loop3A_34 = tpu.vector_load %arg19[%parallel_loop3A_33] {strides = array<i32>} : memref<512xf32, #tpu.memory_space<vmem>>, vector<16xf32>,
        tpu.vector_store %arg19[%parallel_loop3A_33], %parallel_loop3A_30 {strides = array<i32>} : memref<512xf32, #tpu.memory_space<vmem>>, vector<16xf32>,
      } {sc.loop_unroll_factor = 2 : i64, sc.parallel_access}
      "tpu.region"() ({
        %run_scoped3A_21 = tpu.sem_alloc : memref<!tpu.dma_semaphore, #tpu.memory_space<semaphore_mem>>
        tpu.enqueue_dma source(%arg19 : memref<512xf32, #tpu.memory_space<vmem>>) target(%arg5 : memref<512xf32, #tpu.memory_space<hbm>>) target_semaphore(%run_scoped3A_21 : memref<!tpu.dma_semaphore, #tpu.memory_space<semaphore_mem>>)
        tpu.wait_dma2 semaphore(%run_scoped3A_21 : memref<!tpu.dma_semaphore, #tpu.memory_space<semaphore_mem>>) src(%arg19 : memref<512xf32, #tpu.memory_space<vmem>>) dst(%arg5 : memref<512xf32, #tpu.memory_space<hbm>>)
        tpu.yield
      }) : () -> ()
    } else {
    }
    return
  }
}

</mosaic_0001>

<sc_bundles>
// kernel: kernel.3.cloned.1.call-start
scs
__scs_entry_jumppad:
0x0: {  	(pc) =	sbr.rel $0x88, $3  }
0x1: {  	(tag) =	ssettag $0x0;
	lr =	simm.s32 $0x1  }
0x2: {  	[smem:$0x3F9E] =	sst lr;
	_ =	strace $0xD0000000  }
0x3: {  	_ = 	snop  }
0x4: {  	_ = 	snop  }
0x5: {  	_ = 	snop  }
0x6: {  	_ = 	snop  }
0x7: {  	_ = 	snop  }
__scs_overlays_trampoline_lowered:
0x8: {  	[smem:$0x3FAD] =	sst s0  }
0x9: {  	[smem:$0x3FAE] =	sst s1  }
0xa: {  	[smem:$0x3FAF] =	sst s2  }
0xb: {  	[smem:$0x3FB0] =	sst s3  }
0xc: {  	[smem:$0x3FB1] =	sst s4  }
0xd: {  	[smem:$0x3FB2] =	sst s5  }
0xe: {  	[smem:$0x3FB3] =	sst s6  }
0xf: {  	[smem:$0x3FB4] =	sst s7  }
0x10: {  	[smem:$0x3FB5] =	sst s8  }
0x11: {  	[smem:$0x3FB6] =	sst s9;
	s0 =	simm.s32 @!p0 $0x0  }
0x12: {  	s1 =	sld [smem:$0x3F9C];
	s0 =	simm.s32 @p0 $0x1  }
0x13: {  	[smem:$0x3FB7] =	sst s0;
	s0 =	simm.s32 @!p1 $0x0  }
0x14: {  	s2 =	sld [smem:$0x3F9B];
	s0 =	simm.s32 @p1 $0x1  }
0x15: {  	[smem:$0x3FB8] =	sst s0;
	s0 =	simm.s32 @!p2 $0x0  }
0x16: {  	s3 =	sld [smem:$0x3FDB];
	s0 =	simm.s32 @p2 $0x1  }
0x17: {  	s4 =	simm.s32 $0x1BF5;
	[smem:$0x3FBA] =	sst s0  }
0x18: {  	s0 =	sld [smem:$0x3F9D];
	_ =	swait.ge [sflag:s4], $0x0  }
0x19: {  	s7 =	sld [smem:$0x3F9E]  }
0x1a: {  	s8 =	sadd.s32 $0xFFFFE003, lr  }
0x1b: {  	s9 =	sadd.s32 $0xFFFFFEF7, lr;
	s5 =	simm.s32 $0xFFFFFFFF;
	p2 =	slt.u32 s8, $0xFFFFF086  }
0x1c: {  	p1 =	slt.u32 s9, $0xF7A;
	s5 =	simm.s32 @!p2 $0x0  }
0x1d: {  	s5 =	simm.s32 @p1 $0x1;
	p0 =	seq.s32 s7, s2  }
0x1e: {  	s7 =	smul.u32 @!p0 $0xF7A, s2;
	p2 =	seq.s32 @!p0 s5, $0x0  }
0x1f: {  	s9 =	smul.u32 $0xF7A, s1;
	s8 =	simm.s32 @!p0 $0x1BF5;
	p2 =	por !p2, p0  }
0x20: {  	[sflag:s8] =	ssyncset.s32 @!p0 $0xFFFFF086;
	s6 =	sadd.s32 @!p0 s3, s7;
	s7 =	simm.s32 @!p0 $0x108  }
0x21: {  	s3 =	sadd.s32 s3, s9;
	s6 =	sadd.s32 @!p0 $0x88, s6;
	s7 =	simm.s32 @p2 $0x1082  }
0x22: {  	[simem:s7], [sflag:s8] =	dma.local @!p0 [hbm:s6], $0xF7A  }
0x23: {  	s9 =	sor.u32 $0xD0000000, s2;
	s6 =	simm.s32 $0x108;
	_ =	swait.ge @!p0 [sflag:s8], $0x0  }
0x24: {  	s3 =	sadd.s32 $0x88, s3;
	s6 =	simm.s32 @!p1 $0x1082;
	[sflag:s4] =	ssyncset.s32 $0xFFFFF086  }
0x25: {  	[simem:s6], [sflag:s4] =	dma.local [hbm:s3], $0xF7A  }
0x26: {  	[smem:$0x3F9E] =	sst s1;
	(tag) =	ssettag s2;
	_ =	strace s9  }
0x27: {  	s1 =	sld [smem:$0x3FAE]  }
0x28: {  	s2 =	sld [smem:$0x3FAF]  }
0x29: {  	s4 =	sld [smem:$0x3FB1]  }
0x2a: {  	p0 =	seq.s32 s5, $0x0;
	s5 =	sld [smem:$0x3FB2]  }
0x2b: {  	s6 =	sld [smem:$0x3FB3]  }
0x2c: {  	s7 =	sld [smem:$0x3FB4]  }
0x2d: {  	s3 =	simm.s32 $0x108;
	s8 =	sld [smem:$0x3FB5]  }
0x2e: {  	s3 =	simm.s32 @!p0 $0x1082;
	s9 =	sld [smem:$0x3FB6]  }
0x2f: {  	lr =	sadd.s32 s0, s3;
	s0 =	sld [smem:$0x3FAD]  }
0x30: {  	s3 =	sld [smem:$0x3FB0]  }
0x31: {  	[smem:$0x3FB9] =	sst s10  }
0x32: {  	s10 =	sld [smem:$0x3FB7];
	_ =	sdelay $0x3  }
0x33: {  	p0 =	seq.s32 s10, $0x1;
	s10 =	sld [smem:$0x3FB9];
	_ =	sdelay $0x3  }
0x34: {  	[smem:$0x3FB9] =	sst s10  }
0x35: {  	s10 =	sld [smem:$0x3FB8];
	_ =	sdelay $0x3  }
0x36: {  	p1 =	seq.s32 s10, $0x1;
	s10 =	sld [smem:$0x3FB9];
	_ =	sdelay $0x3  }
0x37: {  	[smem:$0x3FB9] =	sst s10  }
0x38: {  	s10 =	sld [smem:$0x3FBA]  }
0x39: {  	_ = 	snop;
	(pc) =	sbr.ind lr, $3  }
0x3a: {  	_ = 	snop  }
0x3b: {  	_ = 	snop  }
0x3c: {  	p2 =	seq.s32 s10, $0x1;
	s10 =	sld [smem:$0x3FB9]  }
0x3d: {  	_ =	shalt  }
0x3e: {  	_ =	shalt  }
0x3f: {  	_ =	shalt  }
0x40: {  	_ =	shalt  }
0x41: {  	_ =	shalt  }
0x42: {  	_ =	shalt  }
0x43: {  	_ =	shalt  }
0x44: {  	_ =	shalt  }
0x45: {  	_ =	shalt  }
0x46: {  	_ =	shalt  }
0x47: {  	_ =	shalt  }
0x48: {  	_ =	shalt  }
0x49: {  	_ =	shalt  }
0x4a: {  	_ =	shalt  }
0x4b: {  	_ =	shalt  }
0x4c: {  	_ =	shalt  }
0x4d: {  	_ =	shalt  }
0x4e: {  	_ =	shalt  }
0x4f: {  	_ =	shalt  }
0x50: {  	_ =	shalt  }
0x51: {  	_ =	shalt  }
0x52: {  	_ =	shalt  }
0x53: {  	_ =	shalt  }
0x54: {  	_ =	shalt  }
0x55: {  	_ =	shalt  }
0x56: {  	_ =	shalt  }
0x57: {  	_ =	shalt  }
0x58: {  	_ =	shalt  }
0x59: {  	_ =	shalt  }
0x5a: {  	_ =	shalt  }
0x5b: {  	_ =	shalt  }
0x5c: {  	_ =	shalt  }
0x5d: {  	_ =	shalt  }
0x5e: {  	_ =	shalt  }
0x5f: {  	_ =	shalt  }
0x60: {  	_ =	shalt  }
0x61: {  	_ =	shalt  }
0x62: {  	_ =	shalt  }
0x63: {  	_ =	shalt  }
0x64: {  	_ =	shalt  }
0x65: {  	_ =	shalt  }
0x66: {  	_ =	shalt  }
0x67: {  	_ =	shalt  }
0x68: {  	_ =	shalt  }
0x69: {  	_ =	shalt  }
0x6a: {  	_ =	shalt  }
0x6b: {  	_ =	shalt  }
0x6c: {  	_ =	shalt  }
0x6d: {  	_ =	shalt  }
0x6e: {  	_ =	shalt  }
0x6f: {  	_ =	shalt  }
0x70: {  	_ =	shalt  }
0x71: {  	_ =	shalt  }
0x72: {  	_ =	shalt  }
0x73: {  	_ =	shalt  }
0x74: {  	_ =	shalt  }
0x75: {  	_ =	shalt  }
0x76: {  	_ =	shalt  }
0x77: {  	_ =	shalt  }
0x78: {  	_ =	shalt  }
0x79: {  	_ =	shalt  }
0x7a: {  	_ =	shalt  }
0x7b: {  	_ =	shalt  }
0x7c: {  	_ =	shalt  }
0x7d: {  	_ =	shalt  }
0x7e: {  	_ =	shalt  }
0x7f: {  	_ =	shalt  }
0x80: {  	_ =	shalt  }
0x81: {  	_ =	shalt  }
0x82: {  	_ =	shalt  }
0x83: {  	_ =	shalt  }
0x84: {  	_ =	shalt  }
0x85: {  	_ =	shalt  }
0x86: {  	_ =	shalt  }
0x87: {  	_ =	shalt  }
.Lfunc_end0:
.L_simem_size_0:
called_computation_lowered:
.L_overlay_start_0:
0x88: {  	s2 =	sld [smem:$0x3FD9]  }
0x89: {  	s3 =	sld [smem:$0x3FFE];
	_ =	sdelay $0x1  }
0x8a: {  	s1 =	srdreg.scid  }
0x8b: {  	s0 =	sand.u32 $0x1, s1  }
0x8c: {  	s17 =	sshll.u32 s0, $0xA;
	s2 =	sadd.s32 s3, s2  }
0x8d: {  	s2 =	sadd.s32 s2, s17  }
0x8e: {  	[smem:$0x3FC5] =	sst s2  }
0x8f: {  	_ = 	snop  }
0x90: {  	s2 =	sld [smem:$0x3FD0];
	(tm) =	ssettm $0x1  }
0x91: {  	s18 =	sld [smem:$0x3FFB];
	_ =	sdelay $0x3  }
0x92: {  	_ =	strace s18  }
0x93: {  	s3 =	sld [smem:$0x3FFC];
	_ =	sdelay $0x3  }
0x94: {  	_ =	strace s3  }
0x95: {  	s3 =	sld [smem:$0x3FFD];
	_ =	sdelay $0x3  }
0x96: {  	_ =	strace s3  }
0x97: {  	_ =	strace $0x8FFFFFFF  }
0x98: {  	s19 =	sld [smem:$0x3FDB];
	_ =	sdelay $0x1  }
0x99: {  	s4 =	simm.s32 $_scs_section_size  }
0x9a: {  	s5 =	simm.s32 $_size__tile_overlayer_lowered;
	s6 =	simm.s32 $_tile_overlayer_lowered  }
0x9b: {  	s22 =	simm.s32 $0x1BFF;
	s21 =	sshll.u32 s6, $0x1;
	s3 =	sadd.s32 s4, s19  }
0x9c: {  	s7 =	simm.s32 $0x0;
	s20 =	sshll.u32 s5, $0x1;
	s5 =	sadd.s32 s21, s3  }
0x9d: {  	[timem:s7], [sflag:s22] =	dma.local [hbm:s5], s20  }
0x9e: {  	_ =	swait.ge [sflag:s22], s20  }
0x9f: {  	s4 =	ssub.s32 $0x0, s20;
	[sflag:s22] =	ssyncset.done $0x0  }
0xa0: {  	[sflag:s22] =	ssyncadd.s32 s4;
	_ =	sdelay $0x1  }
0xa1: {  	s23 =	simm.s32 $0x1B8B  }
0xa2: {  	_ =	swait.ge [sflag:s23], $0x1  }
0xa3: {  	[sflag:s23] =	ssyncset.done $0x0  }
0xa4: {  	s25 =	simm.s32 $0x1B8E;
	s24 =	sld [smem:$0x3FFE];
	[sflag:s23] =	ssyncadd.s32 $0xFFFFFFFF  }
0xa5: {  	s26 =	simm.s32 $execute0_lowered;
	[smem:$0x3FD2] =	sst s25  }
0xa6: {  	s5 =	sshll.u32 s26, $0x1;
	_ =	strace $0x80000046;
	[dreg:$0x1] =	wrdreg $0xFFFFFFFF  }
0xa7: {  	s28 =	simm.s32 $_size_execute0_lowered;
	s3 =	sadd.s32 s3, s5;
	[dreg:$0x0] =	wrdreg $0x0  }
0xa8: {  	s5 =	sshll.u32 s28, $0x1;
	[dreg:$0x2] =	wrdreg s3  }
0xa9: {  	[dreg:$0x3] =	wrdreg s5  }
0xaa: {  	[dreg:$0x4] =	wrdreg $0xC0  }
0xab: {  	_ =	task [dreg:s7], $0x5FFFF  }
0xac: {  	[dreg:$0x1] =	wrdreg $0xFFFFFFFF  }
0xad: {  	[dreg:$0x0] =	wrdreg $0x60  }
0xae: {  	[dreg:$0x2] =	wrdreg s24  }
0xaf: {  	[dreg:$0x3] =	wrdreg s2  }
0xb0: {  	[dreg:$0x4] =	wrdreg $0x1C5300  }
0xb1: {  	[dreg:$0x5] =	wrdreg $0x1E4700  }
0xb2: {  	[dreg:$0x6] =	wrdreg $0x9  }
0xb3: {  	_ =	task.clear_ibuf [dreg:s7], $0x7FFFF;
	_ =	strace $0x90000046  }
0xb4: {  	s29 =	simm.s32 $0x9;
	_ =	strace $0x80000048  }
0xb5: {  	_ =	swait.ge [sflag:s29], $0x1  }
0xb6: {  	[sflag:s29] =	ssyncadd.s32 $0xFFFFFFFF  }
0xb7: {  	_ =	strace $0x90000048  }
0xb8: {  	_ =	sfence  }
0xb9: {  	s30 =	sld [smem:$0x0];
	_ =	sdelay $0x2  }
0xba: {  	s31 =	sshll.u32 s1, $0xD;
	s1 =	sshrl.u32 s1, $0x2  }
0xbb: {  	s3 =	sand.u32 $0x4000, s31;
	s1 =	sadd.s32 s1, s30  }
0xbc: {  	s0 =	sor.u32 s3, s0;
	s1 =	sshll.u32 s1, $0x11  }
0xbd: {  	s0 =	sor.u32 s1, s0  }
0xbe: {  	s0 =	sadd.s32 $0x8F2B, s0  }
0xbf: {  	[sflag:s0] =	ssyncadd.remote.s32 $0x1  }
0xc0: {  	_ =	sfence.sel $0xFFFF  }
0xc1: {  	[dreg:$0x0] =	wrdreg $0xFFFFFFFF;
	(pc) =	sbr.abs _section_cstart, $3  }
0xc2: {  	[dreg:$0x1] =	wrdreg $0xFFFFFFFF  }
0xc3: {  	_ =	task.clear_ibuf [dreg:s7], $0x2FFFF;
	_ =	strace $0x9FFFFFFF  }
0xc4: {  	(tm) =	ssettm $0x7FFFFFFF  }
0xc5: {  	_ =	shalt  }
tec
execute0_lowered:
.L_overlay_start_1:
0x0: {  	(tag) =	ssettag $0x1  }
0x1: {  	s0 =	rddreg [dreg:$0x0]  }
0x2: {  	s1 =	rddreg [dreg:$0x2]  }
0x3: {  	s2 =	rddreg [dreg:$0x3]  }
0x4: {  	s3 =	simm.s32 $0x0;
	s18 =	stileid.u32;
	s4 =	srdreg.scid  }
0x5: {  	s15 =	simm.s32 $0x17E70;
	s16 =	simm.s32 $0x1;
	s17 =	simm.s32 $0x18070  }
0x6: {  	s22 =	simm.s32 $0x17880;
	s23 =	simm.s32 $0x200;
	s24 =	simm.s32 $0x13880  }
0x7: {  	s28 =	simm.s32 $0xBB80;
	s29 =	simm.s32 $0xFA00;
	s30 =	simm.s32 $0x1C130  }
0x8: {  	s31 =	simm.s32 $0x1C330;
	[smem:$0x7FF] =	sst s3;
	s5 =	smul.u32 $0x7D0, s18  }
0x9: {  	s11 =	sand.u32 $0x1, s4;
	s4 =	sadd.s32 $0x2800, s0;
	p1 =	slt.u32 s18, $0x4  }
0xa: {  	s7 =	smul.u32 $0x1F400, s18;
	s20 =	sshll.u32 s18, $0x9;
	s25 =	sadd.s32 $0x200, s2  }
0xb: {  	s12 =	sadd.s32 $0x400, s2;
	s13 =	sadd.s32 $0x600, s2;
	s26 =	sshll.u32 s18, $0x6  }
0xc: {  	_ =	strace $0x80000047;
	s6 =	ssub.s32 $0x2, s11;
	p0 =	seq.s32 s11, $0x0  }
0xd: {  	s10 =	sadd.s32 s20, s2;
	s21 =	sor.u32 s18, s11;
	[dreg:$0x5] =	wrdreg s25  }
0xe: {  	s18 =	sor.u32 $0x1C01, s26;
	s26 =	simm.s32 $0x7D00;
	s8 =	sadd.s32 s5, s0  }
.Ltmp0:
0xf: {  	s5 =	sadd.s32 $0x2A00, s0;
	s9 =	sshrl.u32 s6, $0x1;
	(pc) =	sbr.rel .LBB2_1-.Ltmp0, $4  }
0x10: {  	v0 =	vlaneseq.u32;
	p0 =	por !p0, !p1;
	s7 =	sshrl.u32 s7, $0x2;
	p1 =	sne.s32 s21, $0x0  }
0x11: {  	v1 =	vmul.u32 $0xFFFFFFFF, v0;
	s14 =	ssub.s32 s6, s9;
	p0 =	por !p0, !p0;
	s6 =	sadd.s32 $0x2840, s0  }
0x12: {  	s7 =	sadd.s32 s7, s1;
	s8 =	sadd.s32 $0x800, s8;
	s0 =	simm.s32 $0x0  }
0x13: {  	v0 =	vimm.f32 $0.0e+00;
	v1 =	vadd.s32 $0x1F4, v1;
	s9 =	sadd.s32 $0x3E80, s7;
	s14 =	smax.u32 s14, $0x1;
	s19 =	sshrl.u32 s7, $0x3  }
.LBB2_28:
0x14: {  	_ = 	snop  }
.LBB2_33:
0x15: {  	_ =	sdelay $0x3  }
0x16: {  	v15 =	vld.idx.msk @p2 [tilespmem:v15+s29+$0x0], $0xffff;
	v4 =	vor.u32 @p2 $0xF, v4  }
0x17: {  	v16 =	vld.idx.msk @p2 [tilespmem:v16+s29+$0x0], $0xffff;
	v5 =	vor.u32 @p2 $0xF, v5  }
0x18: {  	v17 =	vld.idx.msk @p2 [tilespmem:v17+s29+$0x0], $0xffff;
	v3 =	vshll.u32 v3, $0x4  }
0x19: {  	v18 =	vld.idx.msk @p2 [tilespmem:v18+s29+$0x0], $0xffff;
	v2 =	vshll.u32 v2, $0x4  }
0x1a: {  	v19 =	vld.idx.msk @p2 [tilespmem:v19+s29+$0x0], $0xffff;
	v20 =	vor.u32 $0x1, v3  }
0x1b: {  	v21 =	vor.u32 $0x1, v2;
	v4 =	vld.idx.msk @p2 [tilespmem:v4+s29+$0x0], $0xffff  }
0x1c: {  	v22 =	vor.u32 $0x2, v3;
	v5 =	vld.idx.msk @p2 [tilespmem:v5+s29+$0x0], $0xffff  }
0x1d: {  	v24 =	vor.u32 $0x2, v2;
	v23 =	vld.idx.msk [tilespmem:v3+s29+$0x0], $0xffff  }
0x1e: {  	v26 =	vor.u32 $0x3, v3;
	v25 =	vld.idx.msk [tilespmem:v2+s29+$0x0], $0xffff  }
0x1f: {  	v27 =	vor.u32 $0x3, v2;
	v20 =	vld.idx.msk [tilespmem:v20+s29+$0x0], $0xffff  }
0x20: {  	v28 =	vor.u32 $0x4, v3;
	v21 =	vld.idx.msk [tilespmem:v21+s29+$0x0], $0xffff  }
0x21: {  	v29 =	vor.u32 $0x4, v2;
	v22 =	vld.idx.msk [tilespmem:v22+s29+$0x0], $0xffff  }
0x22: {  	v30 =	vor.u32 $0x5, v3;
	v24 =	vld.idx.msk [tilespmem:v24+s29+$0x0], $0xffff  }
0x23: {  	v31 =	vor.u32 $0x5, v2;
	v26 =	vld.idx.msk [tilespmem:v26+s29+$0x0], $0xffff;
	v23 =	vmul.f32 v25, v23  }
0x24: {  	v58 =	vor.u32 $0x6, v3;
	v57 =	vld.idx.msk [tilespmem:v27+s29+$0x0], $0xffff  }
0x25: {  	v32 =	vor.u32 $0x6, v2;
	v28 =	vld.idx.msk [tilespmem:v28+s29+$0x0], $0xffff;
	v20 =	vmul.f32 v21, v20;
	v23 =	vadd.f32 $0.0e+00, v23  }
0x26: {  	v60 =	vor.u32 $0x7, v3;
	v59 =	vld.idx.msk [tilespmem:v29+s29+$0x0], $0xffff  }
0x27: {  	v61 =	vor.u32 $0x7, v2;
	v30 =	vld.idx.msk [tilespmem:v30+s29+$0x0], $0xffff;
	v22 =	vmul.f32 v24, v22;
	v20 =	vadd.f32 v20, v23  }
0x28: {  	v63 =	vor.u32 $0x8, v3;
	v62 =	vld.idx.msk [tilespmem:v31+s29+$0x0], $0xffff  }
0x29: {  	v36 =	vor.u32 $0x8, v2;
	v27 =	vld.idx.msk [tilespmem:v58+s29+$0x0], $0xffff;
	v25 =	vmul.f32 v57, v26;
	v20 =	vadd.f32 v22, v20  }
0x2a: {  	v38 =	vor.u32 $0x9, v3;
	v37 =	vld.idx.msk [tilespmem:v32+s29+$0x0], $0xffff  }
0x2b: {  	v39 =	vor.u32 $0x9, v2;
	v29 =	vld.idx.msk [tilespmem:v60+s29+$0x0], $0xffff;
	v21 =	vmul.f32 v59, v28;
	v20 =	vadd.f32 v25, v20  }
0x2c: {  	v40 =	vor.u32 $0xA, v3;
	v23 =	vld.idx.msk [tilespmem:v61+s29+$0x0], $0xffff  }
0x2d: {  	v41 =	vor.u32 $0xA, v2;
	v31 =	vld.idx.msk [tilespmem:v63+s29+$0x0], $0xffff;
	v24 =	vmul.f32 v62, v30;
	v20 =	vadd.f32 v21, v20  }
0x2e: {  	v42 =	vor.u32 $0xB, v3;
	v22 =	vld.idx.msk [tilespmem:v36+s29+$0x0], $0xffff  }
0x2f: {  	v43 =	vor.u32 $0xB, v2;
	v32 =	vld.idx.msk [tilespmem:v38+s29+$0x0], $0xffff;
	v26 =	vmul.f32 v37, v27;
	v20 =	vadd.f32 v24, v20  }
0x30: {  	v44 =	vor.u32 $0xC, v3;
	v25 =	vld.idx.msk [tilespmem:v39+s29+$0x0], $0xffff  }
0x31: {  	v45 =	vor.u32 $0xC, v2;
	v28 =	vld.idx.msk [tilespmem:v40+s29+$0x0], $0xffff;
	v23 =	vmul.f32 v23, v29;
	v20 =	vadd.f32 v26, v20  }
0x32: {  	v48 =	vor.u32 $0xD, v2;
	v21 =	vld.idx.msk [tilespmem:v41+s29+$0x0], $0xffff  }
0x33: {  	v46 =	vor.u32 $0xD, v3;
	v47 =	vld.idx.msk [tilespmem:v42+s29+$0x0], $0xffff;
	v22 =	vmul.f32 v22, v31;
	v20 =	vadd.f32 v23, v20  }
0x34: {  	v13 =	vadd.f32 @p2 v14, v13;
	v6 =	vmul.f32 @p2 v9, v6;
	v50 =	vor.u32 $0xE, v3;
	v49 =	vld.idx.msk [tilespmem:v43+s29+$0x0], $0xffff  }
0x35: {  	v53 =	vor.u32 $0xE, v2;
	v51 =	vld.idx.msk [tilespmem:v44+s29+$0x0], $0xffff;
	v52 =	vmul.f32 v25, v32;
	v20 =	vadd.f32 v22, v20  }
0x36: {  	v7 =	vmul.f32 @p2 v11, v7;
	v6 =	vadd.f32 @p2 v6, v13;
	v3 =	vor.u32 $0xF, v3;
	v54 =	vld.idx.msk [tilespmem:v45+s29+$0x0], $0xffff  }
0x37: {  	v2 =	vor.u32 $0xF, v2;
	v58 =	vld.idx.msk [tilespmem:v48+s29+$0x0], $0xffff;
	v56 =	vmul.f32 v21, v28;
	v55 =	vadd.f32 v52, v20  }
0x38: {  	v6 =	vadd.f32 @p2 v7, v6;
	v7 =	vmul.f32 @p2 v12, v8;
	v57 =	vld.idx.msk [tilespmem:v46+s29+$0x0], $0xffff  }
0x39: {  	v60 =	vld.idx.msk [tilespmem:v50+s29+$0x0], $0xffff;
	v9 =	vmul.f32 v49, v47;
	v59 =	vadd.f32 v56, v55  }
0x3a: {  	v6 =	vadd.f32 @p2 v7, v6;
	v7 =	vmul.f32 @p2 v15, v10;
	v61 =	vld.idx.msk [tilespmem:v53+s29+$0x0], $0xffff  }
0x3b: {  	v3 =	vld.idx.msk [tilespmem:v3+s29+$0x0], $0xffff;
	v11 =	vmul.f32 v54, v51;
	v9 =	vadd.f32 v9, v59  }
0x3c: {  	v6 =	vadd.f32 @p2 v7, v6;
	v7 =	vmul.f32 @p2 v17, v16;
	v2 =	vld.idx.msk [tilespmem:v2+s29+$0x0], $0xffff  }
0x3d: {  	v8 =	vmul.f32 v58, v57;
	v9 =	vadd.f32 v11, v9  }
0x3e: {  	v6 =	vadd.f32 @p2 v7, v6;
	v7 =	vmul.f32 @p2 v19, v18  }
0x3f: {  	v62 =	vmul.f32 v61, v60;
	v8 =	vadd.f32 v8, v9  }
0x40: {  	v4 =	vmul.f32 @p2 v5, v4;
	v6 =	vadd.f32 @p2 v7, v6  }
0x41: {  	v2 =	vmul.f32 v2, v3;
	v63 =	vadd.f32 v62, v8  }
0x42: {  	v3 =	vadd.f32 @p2 v4, v6  }
0x43: {  	v2 =	vadd.f32 v2, v63  }
0x44: {  	[tilespmem:s20+$0x1C130] =	vst @p2 v3  }
0x45: {  	[tilespmem:s1+$0x1C130] =	vst v2  }
0x46: {  	[spmem:s10] =	stream.linear.scatter [tilespmem:s30], [sflag:$0x1], $0x200, $0x38;
	[tilespmem:$0x1E4F0] =	vst v63  }
0x47: {  	_ =	swait.ge [sflag:s16], $0x200  }
0x48: {  	[sflag:s16] =	ssyncset.done $0x0  }
0x49: {  	[sflag:s16] =	ssyncadd.s32 $0xFFFFFE00  }
.LBB2_34:
.Ltmp1:
0x4a: {  	(pc) =	sbr.rel @!p1 .LBB2_35-.Ltmp1, $2  }
0x4b: {  	_ =	sdelay $0x1  }
0x4c: {  	[bflag:$0x0] =	sbarrier.arrive $0xFFFF;
	_ =	sdelay $0x1  }
.LBB2_42:
0x4d: {  	s0 =	sadd.s32 $0x1, s0  }
0x4e: {  	p2 =	sne.s32 s0, s14  }
.Ltmp2:
0x4f: {  	_ = 	snop;
	(pc) =	sbr.rel @!p2 .LBB2_43-.Ltmp2, $1  }
0x50: {  	_ =	sdelay $0x3  }
.LBB2_1:
.Ltmp3:
0x51: {  	(pc) =	sbr.rel @!p0 .LBB2_34-.Ltmp3, $1  }
0x52: {  	_ =	sdelay $0x3  }
0x53: {  	[tilespmem:s15], [sflag:$0x1] =	stream.linear.gather [hbm4b:s4+s3], $0x200, $0x38;
	[tilespmem:$0x1E4F0] =	vst v63  }
0x54: {  	_ =	swait.ge [sflag:s16], $0x200  }
0x55: {  	[sflag:s16] =	ssyncset.done $0x0  }
0x56: {  	[sflag:s16] =	ssyncadd.s32 $0xFFFFFE00  }
0x57: {  	[tilespmem:s17], [sflag:$0x1] =	stream.linear.gather [hbm4b:s6+s3], $0x200, $0x38;
	[tilespmem:$0x1E4F0] =	vst v63  }
0x58: {  	_ =	swait.ge [sflag:s16], $0x200  }
0x59: {  	[sflag:s16] =	ssyncset.done $0x0  }
0x5a: {  	[sflag:s16] =	ssyncadd.s32 $0xFFFFFE00  }
0x5b: {  	[tilespmem:s3], [sflag:$0x1] =	stream.linear.gather [hbm4b:s8+s3], $0x3E80, $0x38;
	[tilespmem:$0x1E4F0] =	vst v63  }
0x5c: {  	_ =	swait.ge [sflag:s16], $0x3E80  }
0x5d: {  	[sflag:s16] =	ssyncset.done $0x0  }
0x5e: {  	[sflag:s16] =	ssyncadd.s32 $0xFFFFC180  }
0x5f: {  	[spmem:s19], [sflag:s18] =	dma.local [hbm:s8], $0x7D0  }
0x60: {  	_ =	swait.ge [sflag:s16], $0x7D0  }
0x61: {  	[sflag:s16] =	ssyncset.done $0x0  }
0x62: {  	s1 =	simm.s32 $0x18270;
	[sflag:s16] =	ssyncadd.s32 $0xFFFFF830  }
0x63: {  	[tilespmem:s1], [sflag:$0x1] =	stream.linear.gather [hbm4b:s5+s3], $0x40, $0x38;
	[tilespmem:$0x1E4F0] =	vst v63  }
0x64: {  	_ =	swait.ge [sflag:s16], $0x40  }
0x65: {  	[sflag:s16] =	ssyncset.done $0x0  }
0x66: {  	s1 =	simm.s32 $0x182F0;
	[sflag:s16] =	ssyncadd.s32 $0xFFFFFFC0  }
0x67: {  	[tilespmem:s1+$0xFFFFFFC0] =	vst v0  }
0x68: {  	[tilespmem:s1+$0x30] =	vst v0  }
0x69: {  	[tilespmem:s1+$0x20] =	vst v0  }
0x6a: {  	[tilespmem:s1+$0x10] =	vst v0  }
0x6b: {  	[tilespmem:s1+$0x0] =	vst v0  }
0x6c: {  	[tilespmem:s1+$0xFFFFFFF0] =	vst v0  }
0x6d: {  	s2 =	simm.s32 $0x0;
	[tilespmem:s1+$0xFFFFFFE0] =	vst v0  }
.LBB2_3:
0x6e: {  	s2 =	sadd.s32 $0x8, s2;
	[tilespmem:s1+$0xFFFFFFD0] =	vst v0;
	s1 =	sadd.s32 $0x80, s1  }
0x6f: {  	[tilespmem:s1+$0xFFFFFFC0] =	vst v0;
	p2 =	slt.u32 s2, $0x3E0  }
0x70: {  	[tilespmem:s1+$0x30] =	vst v0  }
.Ltmp4:
0x71: {  	[tilespmem:s1+$0x20] =	vst v0;
	(pc) =	sbr.rel @p2 .LBB2_3-.Ltmp4, $4  }
0x72: {  	[tilespmem:s1+$0x10] =	vst v0  }
0x73: {  	[tilespmem:s1+$0x0] =	vst v0  }
0x74: {  	[tilespmem:s1+$0xFFFFFFF0] =	vst v0  }
0x75: {  	[tilespmem:s1+$0xFFFFFFE0] =	vst v0  }
0x76: {  	[tilespmem:s1+$0xFFFFFFD0] =	vst v0;
	s25 =	simm.s32 $0x182B0  }
0x77: {  	[spmem:s9] =	stream.linear.scatter [tilespmem:s25], [sflag:$0x1], $0x3E80, $0x38;
	[tilespmem:$0x1E4F0] =	vst v63  }
0x78: {  	_ =	swait.ge [sflag:s16], $0x3E80  }
0x79: {  	[sflag:s16] =	ssyncset.done $0x0  }
0x7a: {  	s1 =	simm.s32 $0x178A0;
	[sflag:s16] =	ssyncadd.s32 $0xFFFFC180  }
0x7b: {  	[tilespmem:s1+$0xFFFFFFE0] =	vst v0  }
0x7c: {  	[tilespmem:s1+$0x10] =	vst v0  }
0x7d: {  	s2 =	simm.s32 $0x0;
	[tilespmem:s1+$0x0] =	vst v0  }
.LBB2_5:
0x7e: {  	s2 =	sadd.s32 $0x4, s2  }
0x7f: {  	[tilespmem:s1+$0xFFFFFFF0] =	vst v0;
	s1 =	sadd.s32 $0x40, s1;
	p2 =	slt.u32 s2, $0x38  }
.Ltmp5:
0x80: {  	[tilespmem:s1+$0xFFFFFFE0] =	vst v0;
	(pc) =	sbr.rel @p2 .LBB2_5-.Ltmp5, $3  }
0x81: {  	_ =	sdelay $0x1  }
0x82: {  	[tilespmem:s1+$0x10] =	vst v0  }
0x83: {  	[tilespmem:s1+$0x0] =	vst v0  }
0x84: {  	[tilespmem:s1+$0xFFFFFFF0] =	vst v0;
	s1 =	simm.s32 $0x0  }
.LBB2_7:
0x85: {  	p2 =	sne.s32 s1, $0x80  }
.Ltmp6:
0x86: {  	_ = 	snop;
	(pc) =	sbr.rel @p2 .LBB2_7-.Ltmp6, $3  }
0x87: {  	_ =	sdelay $0x1  }
0x88: {  	s2 =	sshra.s32 s1, $0x2  }
0x89: {  	s1 =	sadd.s32 $0x40, s1;
	[tilespmem:s2+$0x17C40] =	vst v0  }
0x8a: {  	s1 =	simm.s32 $0x18080  }
0x8b: {  	v4 =	vld [tilespmem:s1+$0x0]  }
0x8c: {  	s2 =	simm.s32 $0x10  }
0x8d: {  	v2 =	vmov s2  }
0x8e: {  	vm0 =	vlt.u32 v2, v1;
	v2 =	vld [tilespmem:s1+$0xFFFFFFF0];
	_ =	sdelay $0x1  }
0x8f: {  	s11 =	simm.s32 $0x0  }
0x90: {  	v3 =	vmov s11  }
0x91: {  	vm1 =	vlt.u32 v3, v1;
	v5 =	vsel vm0, $0x3F800000, v0  }
0x92: {  	s20 =	simm.s32 $0x180A0;
	s11 =	simm.s32 $0x0;
	s1 =	simm.s32 $0x17890;
	v3 =	vsel vm1, $0x3F800000, v0;
	[tilespmem:v4+s22+$0x0] =	vst.idx.add.f32.msk $0xffff, v5  }
.LBB2_9:
0x93: {  	v4 =	vld [tilespmem:s20+$0x0];
	s11 =	sadd.s32 $0x2, s11  }
0x94: {  	v5 =	vld [tilespmem:s20+$0xFFFFFFF0];
	p2 =	slt.u32 s11, $0x1E  }
0x95: {  	[tilespmem:v2+s22+$0x0] =	vst.idx.add.f32.msk $0xffff, v3;
	_ =	sdelay $0x1  }
.Ltmp7:
0x96: {  	s2 =	sadd.s32 $0x20, s2;
	(pc) =	sbr.rel @p2 .LBB2_9-.Ltmp7, $4  }
0x97: {  	s21 =	sadd.s32 $0xFFFFFFF0, s2;
	v6 =	vmov s2  }
0x98: {  	v3 =	vmov s21;
	vm0 =	vlt.u32 v6, v1;
	v2 =	vmov v5  }
0x99: {  	vm1 =	vlt.u32 v3, v1;
	v5 =	vsel vm0, $0x3F800000, v0  }
0x9a: {  	s20 =	sadd.s32 $0x20, s20;
	v3 =	vsel vm1, $0x3F800000, v0;
	[tilespmem:v4+s22+$0x0] =	vst.idx.add.f32.msk $0xffff, v5  }
0x9b: {  	_ =	sdelay $0x3  }
0x9c: {  	[tilespmem:v2+s22+$0x0] =	vst.idx.add.f32.msk $0xffff, v3  }
0x9d: {  	v4 =	vld [tilespmem:s1+$0xFFFFFFF0];
	_ =	sdelay $0x4  }
0x9e: {  	v2 =	vshrl.u32 v4, $0x1;
	v10 =	vmul.f32 $5.000000000e-01, v4  }
0x9f: {  	v5 =	vld [tilespmem:s1+$0x0];
	v3 =	vsub.s32 $0x5F3759DF, v2  }
0xa0: {  	v2 =	vmul.f32 v3, v10  }
0xa1: {  	s2 =	simm.s32 $0x178B0  }
0xa2: {  	v6 =	vmul.f32 v3, v2;
	v2 =	vld [tilespmem:s2+$0xFFFFFFF0];
	_ =	sdelay $0x1  }
0xa3: {  	v7 =	vshrl.u32 v5, $0x1;
	v15 =	vmul.f32 $5.000000000e-01, v5  }
0xa4: {  	v8 =	vsub.s32 $0x5F3759DF, v7;
	v6 =	vsub.f32 $1.500000000e+00, v6  }
0xa5: {  	v9 =	vmul.f32 v8, v15  }
0xa6: {  	v6 =	vmul.f32 v3, v6;
	v3 =	vld [tilespmem:s2+$0x0];
	v11 =	vshrl.u32 v2, $0x1;
	v7 =	vmul.f32 $5.000000000e-01, v2  }
0xa7: {  	v9 =	vmul.f32 v8, v9;
	v11 =	vsub.s32 $0x5F3759DF, v11  }
0xa8: {  	v12 =	vmul.f32 v6, v10;
	v13 =	vmul.f32 v11, v7  }
0xa9: {  	v9 =	vsub.f32 $1.500000000e+00, v9  }
0xaa: {  	v12 =	vmul.f32 v12, v6;
	v13 =	vmul.f32 v11, v13  }
0xab: {  	s20 =	simm.s32 $0x178D0;
	v14 =	vmul.f32 v8, v9;
	v16 =	vshrl.u32 v3, $0x1;
	v9 =	vmul.f32 $5.000000000e-01, v3  }
0xac: {  	v8 =	vld [tilespmem:s20+$0xFFFFFFF0];
	v12 =	vsub.f32 $1.500000000e+00, v12;
	v17 =	vsub.s32 $0x5F3759DF, v16;
	v13 =	vsub.f32 $1.500000000e+00, v13  }
0xad: {  	v16 =	vmul.f32 v14, v15;
	v18 =	vmul.f32 v17, v9  }
0xae: {  	v12 =	vmul.f32 v12, v6;
	v6 =	vld [tilespmem:s20+$0x0];
	v20 =	vmul.f32 v11, v13  }
0xaf: {  	v11 =	vmul.f32 v16, v14;
	v18 =	vmul.f32 v17, v18  }
0xb0: {  	v10 =	vmul.f32 v12, v10;
	v13 =	vmul.f32 v20, v7  }
0xb1: {  	v16 =	vshrl.u32 v8, $0x1;
	v19 =	vsub.f32 $1.500000000e+00, v11;
	v11 =	vmul.f32 $5.000000000e-01, v8  }
0xb2: {  	v16 =	vsub.s32 $0x5F3759DF, v16;
	v21 =	vmul.f32 v10, v12;
	v22 =	vmul.f32 v13, v20  }
0xb3: {  	v10 =	vshrl.u32 v6, $0x1;
	v23 =	vmul.f32 v16, v11;
	v13 =	vmul.f32 v19, v14  }
0xb4: {  	v24 =	vsub.f32 $1.500000000e+00, v18;
	v14 =	vsub.s32 $0x5F3759DF, v10;
	v10 =	vmul.f32 $5.000000000e-01, v6  }
0xb5: {  	v22 =	vsub.f32 $1.500000000e+00, v22;
	v23 =	vmul.f32 v16, v23;
	v25 =	vmul.f32 v13, v15  }
0xb6: {  	v19 =	vsub.f32 $1.500000000e+00, v21;
	v15 =	vmul.f32 v17, v24;
	v18 =	vmul.f32 v14, v10  }
0xb7: {  	s21 =	simm.s32 $0x4;
	s25 =	simm.s32 $0x178F0;
	v21 =	vsub.f32 $1.500000000e+00, v23;
	v17 =	vmul.f32 v22, v20;
	v20 =	vmul.f32 v25, v13  }
.LBB2_11:
0xb8: {  	v22 =	vld [tilespmem:s25+$0xFFFFFFF0];
	s21 =	sadd.s32 $0x2, s21;
	v23 =	vmul.f32 v15, v9;
	v25 =	vmul.f32 v19, v12;
	vm0 =	vgt.f32 v5, $0.0e+00;
	v5 =	vmovc v3;
	v3 =	vmovc v6  }
0xb9: {  	vm1 =	vgt.f32 v4, $0.0e+00;
	v4 =	vmovc v2;
	v2 =	vmovc v8;
	v6 =	vld [tilespmem:s25+$0x0];
	p2 =	slt.u32 s21, $0x3C;
	v24 =	vmul.f32 v16, v21;
	v16 =	vsub.f32 $1.500000000e+00, v20  }
0xba: {  	v21 =	vmul.f32 v17, v7;
	v7 =	vmovc v11;
	v12 =	vmovc v17;
	v19 =	vmul.f32 v23, v15;
	v20 =	vnsel vm1, $0x0, v25  }
0xbb: {  	v17 =	vmul.f32 v24, v7;
	[tilespmem:s1+$0xFFFFFFF0] =	vst v20;
	v13 =	vmul.f32 v16, v13  }
0xbc: {  	v18 =	vmul.f32 v14, v18;
	v20 =	vmul.f32 v21, v12;
	v19 =	vsub.f32 $1.500000000e+00, v19  }
0xbd: {  	v16 =	vshrl.u32 v22, $0x1;
	v11 =	vmul.f32 $5.000000000e-01, v22;
	v13 =	vnsel vm0, $0x0, v13;
	v8 =	vmovc v22  }
0xbe: {  	v17 =	vmul.f32 v17, v24;
	v16 =	vsub.s32 $0x5F3759DF, v16;
	v21 =	vshrl.u32 v6, $0x1;
	[tilespmem:s1+$0x0] =	vst v13;
	s1 =	smov.u32 s2;
	s2 =	smov.u32 s20;
	s20 =	smov.u32 s25  }
.Ltmp8:
0xbf: {  	v13 =	vmul.f32 v19, v15;
	v22 =	vmul.f32 v16, v11;
	v21 =	vsub.s32 $0x5F3759DF, v21;
	(pc) =	sbr.rel @p2 .LBB2_11-.Ltmp8, $4  }
0xc0: {  	v23 =	vmul.f32 $5.000000000e-01, v6;
	v15 =	vsub.f32 $1.500000000e+00, v18;
	v17 =	vsub.f32 $1.500000000e+00, v17  }
0xc1: {  	v19 =	vsub.f32 $1.500000000e+00, v20;
	v20 =	vmul.f32 v13, v9;
	v9 =	vmovc v10;
	v22 =	vmul.f32 v16, v22  }
0xc2: {  	v18 =	vmul.f32 v21, v23;
	v15 =	vmul.f32 v14, v15;
	v14 =	vmovc v21;
	v10 =	vmov v23  }
0xc3: {  	s25 =	sadd.s32 $0x20, s25;
	v17 =	vmul.f32 v17, v24;
	v20 =	vmul.f32 v20, v13;
	v21 =	vsub.f32 $1.500000000e+00, v22  }
0xc4: {  	v18 =	vmul.f32 v14, v18;
	_ =	sdelay $0x1  }
0xc5: {  	v18 =	vsub.f32 $1.500000000e+00, v18  }
0xc6: {  	v16 =	vmul.f32 v16, v21  }
0xc7: {  	v56 =	vmul.f32 v15, v9;
	v57 =	vmul.f32 v14, v18  }
0xc8: {  	v58 =	vmul.f32 v16, v11  }
0xc9: {  	v21 =	vmul.f32 v56, v15;
	v22 =	vmul.f32 v57, v10  }
0xca: {  	v18 =	vmul.f32 v58, v16  }
0xcb: {  	v21 =	vsub.f32 $1.500000000e+00, v21;
	v22 =	vmul.f32 v22, v57  }
0xcc: {  	v7 =	vmul.f32 v17, v7;
	v18 =	vsub.f32 $1.500000000e+00, v18  }
0xcd: {  	v12 =	vmul.f32 v19, v12;
	v59 =	vmul.f32 v21, v15;
	v60 =	vsub.f32 $1.500000000e+00, v22  }
0xce: {  	v7 =	vmul.f32 v7, v17;
	v16 =	vmul.f32 v18, v16  }
0xcf: {  	vm0 =	vgt.f32 v5, $0.0e+00;
	v5 =	vmul.f32 v59, v9;
	v9 =	vmul.f32 v60, v57  }
0xd0: {  	vm1 =	vgt.f32 v4, $0.0e+00;
	vm9 =	vgt.f32 v2, $0.0e+00;
	v11 =	vmul.f32 v16, v11  }
0xd1: {  	v7 =	vsub.f32 $1.500000000e+00, v7;
	v4 =	vmul.f32 v5, v59;
	v5 =	vmul.f32 v9, v10  }
0xd2: {  	vm10 =	vgt.f32 v3, $0.0e+00;
	v61 =	vsub.f32 $1.500000000e+00, v20;
	v11 =	vmul.f32 v11, v16  }
0xd3: {  	v7 =	vmul.f32 v7, v17;
	v4 =	vsub.f32 $1.500000000e+00, v4;
	v5 =	vmul.f32 v5, v9  }
0xd4: {  	v12 =	vnsel vm1, $0x0, v12;
	v10 =	vmul.f32 v61, v13;
	v11 =	vsub.f32 $1.500000000e+00, v11  }
0xd5: {  	[tilespmem:s1+$0xFFFFFFF0] =	vst v12;
	v3 =	vnsel vm9, $0x0, v7;
	v2 =	vmul.f32 v4, v59;
	v4 =	vsub.f32 $1.500000000e+00, v5  }
0xd6: {  	[tilespmem:s2+$0xFFFFFFF0] =	vst v3;
	v10 =	vnsel vm0, $0x0, v10;
	v5 =	vmul.f32 v11, v16  }
0xd7: {  	vm11 =	vgt.f32 v8, $0.0e+00;
	v2 =	vnsel vm10, $0x0, v2;
	[tilespmem:s1+$0x0] =	vst v10;
	v3 =	vmul.f32 v4, v9  }
0xd8: {  	vm12 =	vgt.f32 v6, $0.0e+00;
	[tilespmem:s2+$0x0] =	vst v2;
	v2 =	vnsel vm11, $0x0, v5  }
0xd9: {  	[tilespmem:s20+$0xFFFFFFF0] =	vst v2;
	v2 =	vnsel vm12, $0x0, v3  }
0xda: {  	[tilespmem:s20+$0x0] =	vst v2  }
0xdb: {  	v2 =	vld [tilespmem:$0x17C60];
	_ =	sdelay $0x4  }
0xdc: {  	v3 =	vshrl.u32 v2, $0x1;
	v4 =	vmul.f32 $5.000000000e-01, v2  }
0xdd: {  	v3 =	vsub.s32 $0x5F3759DF, v3  }
0xde: {  	v5 =	vmul.f32 v3, v4;
	_ =	sdelay $0x1  }
0xdf: {  	v5 =	vmul.f32 v3, v5;
	_ =	sdelay $0x1  }
0xe0: {  	v5 =	vsub.f32 $1.500000000e+00, v5;
	_ =	sdelay $0x1  }
0xe1: {  	v3 =	vmul.f32 v3, v5;
	_ =	sdelay $0x1  }
0xe2: {  	v5 =	vmul.f32 v3, v4;
	_ =	sdelay $0x1  }
0xe3: {  	v5 =	vmul.f32 v5, v3;
	_ =	sdelay $0x1  }
0xe4: {  	v5 =	vsub.f32 $1.500000000e+00, v5;
	_ =	sdelay $0x1  }
0xe5: {  	v3 =	vmul.f32 v5, v3;
	_ =	sdelay $0x1  }
0xe6: {  	v4 =	vmul.f32 v3, v4;
	_ =	sdelay $0x1  }
0xe7: {  	v4 =	vmul.f32 v4, v3;
	_ =	sdelay $0x1  }
0xe8: {  	v4 =	vsub.f32 $1.500000000e+00, v4;
	_ =	sdelay $0x1  }
0xe9: {  	v3 =	vmul.f32 v4, v3  }
0xea: {  	vm13 =	vgt.f32 v2, $0.0e+00  }
0xeb: {  	v2 =	vnsel vm13, $0x0, v3  }
0xec: {  	s21 =	simm.s32 $0x17E80;
	[tilespmem:$0x17C60] =	vst v2  }
0xed: {  	s25 =	simm.s32 $0x18080;
	v2 =	vld [tilespmem:s21+$0x0]  }
0xee: {  	v3 =	vld [tilespmem:s25+$0x0]  }
0xef: {  	v4 =	vld [tilespmem:s21+$0xFFFFFFF0]  }
0xf0: {  	s11 =	simm.s32 $0x17EA0;
	v5 =	vld [tilespmem:s25+$0xFFFFFFF0]  }
0xf1: {  	s20 =	simm.s32 $0x180A0;
	v7 =	vld [tilespmem:s11+$0x0]  }
0xf2: {  	v8 =	vld [tilespmem:s20+$0x0]  }
0xf3: {  	v10 =	vld [tilespmem:s11+$0xFFFFFFF0]  }
0xf4: {  	v11 =	vld [tilespmem:s20+$0xFFFFFFF0];
	s21 =	simm.s32 $0x17EC0  }
0xf5: {  	v6 =	vld [tilespmem:s21+$0x0]  }
0xf6: {  	v9 =	vld.idx.msk [tilespmem:v2+s22+$0x0], $0xffff  }
0xf7: {  	v3 =	vld.idx.msk [tilespmem:v3+s22+$0x0], $0xffff  }
0xf8: {  	v4 =	vld.idx.msk [tilespmem:v4+s22+$0x0], $0xffff  }
0xf9: {  	s2 =	simm.s32 $0x180C0;
	v12 =	vld.idx.msk [tilespmem:v5+s22+$0x0], $0xffff  }
0xfa: {  	s11 =	simm.s32 $0x10;
	v5 =	vld [tilespmem:s2+$0x0]  }
0xfb: {  	v62 =	vmov s11;
	v2 =	vld.idx.msk [tilespmem:v7+s22+$0x0], $0xffff  }
0xfc: {  	s25 =	simm.s32 $0x0;
	vm14 =	vlt.u32 v62, v1;
	v7 =	vmul.f32 v3, v9;
	v3 =	vld.idx.msk [tilespmem:v8+s22+$0x0], $0xffff  }
0xfd: {  	v13 =	vsel vm14, $0x3F800000, v0;
	v9 =	vmov s25;
	v8 =	vld [tilespmem:s21+$0xFFFFFFF0]  }
0xfe: {  	v12 =	vmul.f32 v12, v4;
	vm15 =	vlt.u32 v9, v1;
	v9 =	vmul.f32 v7, v13;
	v7 =	vld [tilespmem:s2+$0xFFFFFFF0]  }
0xff: {  	s1 =	simm.s32 $0x17C80;
	v4 =	vld.idx.msk [tilespmem:v10+s22+$0x0], $0xffff;
	v63 =	vsel vm15, $0x3F800000, v0  }
0x100: {  	s20 =	simm.s32 $0x30;
	s21 =	simm.s32 $0x4;
	s25 =	simm.s32 $0x17EE0;
	v10 =	vmul.f32 v12, v63;
	[tilespmem:s1+$0x0] =	vst v9;
	v9 =	vld.idx.msk [tilespmem:v11+s22+$0x0], $0xffff  }
.LBB2_13:
0x101: {  	v11 =	vld [tilespmem:s25+$0x0];
	s2 =	sadd.s32 $0x20, s2;
	s11 =	sadd.s32 $0xFFFFFFF0, s20;
	v12 =	vmov s20  }
0x102: {  	s21 =	sadd.s32 $0x2, s21;
	v13 =	vld [tilespmem:s2+$0x0];
	v15 =	vmov s11;
	vm0 =	vlt.u32 v12, v1;
	v12 =	vmul.f32 v3, v2;
	[tilespmem:s1+$0xFFFFFFF0] =	vst v10;
	v10 =	vmovc v8  }
0x103: {  	p2 =	slt.u32 s21, $0x1E;
	v2 =	vld.idx.msk [tilespmem:v6+s22+$0x0], $0xffff;
	vm1 =	vlt.u32 v15, v1;
	v6 =	vsel vm0, $0x3F800000, v0;
	v14 =	vmov v7  }
.Ltmp9:
0x104: {  	v3 =	vld.idx.msk [tilespmem:v5+s22+$0x0], $0xffff;
	v15 =	vsel vm1, $0x3F800000, v0;
	v16 =	vmul.f32 v12, v6;
	(pc) =	sbr.rel @p2 .LBB2_13-.Ltmp9, $4  }
0x105: {  	s1 =	sadd.s32 $0x20, s1;
	v8 =	vld [tilespmem:s25+$0xFFFFFFF0]  }
0x106: {  	v12 =	vmul.f32 v9, v4;
	v7 =	vld [tilespmem:s2+$0xFFFFFFF0];
	[tilespmem:s1+$0x0] =	vst v16;
	v6 =	vmov v11  }
0x107: {  	v4 =	vld.idx.msk [tilespmem:v10+s22+$0x0], $0xffff;
	v5 =	vmov v13  }
0x108: {  	s20 =	sadd.s32 $0x20, s20;
	s25 =	sadd.s32 $0x20, s25;
	v10 =	vmul.f32 v12, v15;
	v9 =	vld.idx.msk [tilespmem:v14+s22+$0x0], $0xffff  }
0x109: {  	_ =	sdelay $0x3  }
0x10a: {  	v6 =	vld.idx.msk [tilespmem:v6+s22+$0x0], $0xffff  }
0x10b: {  	v5 =	vld.idx.msk [tilespmem:v5+s22+$0x0], $0xffff  }
0x10c: {  	v8 =	vld.idx.msk [tilespmem:v8+s22+$0x0], $0xffff  }
0x10d: {  	s2 =	sadd.s32 $0xFFFFFFF0, s20;
	v11 =	vmov s20;
	v2 =	vmul.f32 v3, v2;
	s20 =	sadd.s32 $0x20, s20;
	v7 =	vld.idx.msk [tilespmem:v7+s22+$0x0], $0xffff  }
0x10e: {  	v12 =	vmov s2;
	vm0 =	vlt.u32 v11, v1;
	s11 =	sadd.s32 $0xFFFFFFF0, s20;
	v59 =	vmov s20  }
0x10f: {  	vm1 =	vlt.u32 v12, v1;
	v57 =	vsel vm0, $0x3F800000, v0;
	v60 =	vmov s11  }
0x110: {  	vm14 =	vlt.u32 v59, v1;
	v58 =	vsel vm1, $0x3F800000, v0;
	v3 =	vmul.f32 v9, v4  }
0x111: {  	p3 =	por $0x1, $0x1;
	v2 =	vmul.f32 v2, v57;
	vm15 =	vlt.u32 v60, v1;
	v61 =	vmul.f32 v5, v6  }
.Ltmp10:
0x112: {  	s21 =	sadd.s32 $0x20, s1;
	[tilespmem:s1+$0xFFFFFFF0] =	vst v10;
	v62 =	vsel vm14, $0x3F800000, v0;
	v3 =	vmul.f32 v3, v58;
	v63 =	vmul.f32 v7, v8;
	(pc) =	sbr.rel @!p3 .LBB2_15-.Ltmp10, $4  }
0x113: {  	[tilespmem:s21+$0x0] =	vst v2;
	v2 =	vsel vm15, $0x3F800000, v0;
	v4 =	vmul.f32 v61, v62  }
0x114: {  	s25 =	sadd.s32 $0x20, s21;
	[tilespmem:s21+$0xFFFFFFF0] =	vst v3;
	v2 =	vmul.f32 v63, v2  }
0x115: {  	[tilespmem:s25+$0x0] =	vst v4  }
0x116: {  	p2 =	por $0x0, $0x0;
	s1 =	simm.s32 $0x15900;
	s11 =	simm.s32 $0x0;
	[tilespmem:s25+$0xFFFFFFF0] =	vst v2  }
0x117: {  	v5 =	vld [tilespmem:s11+$0x17C70];
	_ =	sdelay $0x4  }
0x118: {  	v2 =	vbroadcast v5, $0xF  }
0x119: {  	v3 =	vbroadcast v5, $0x0  }
0x11a: {  	v4 =	vbroadcast v5, $0x1;
	[tilespmem:s1+$0x70] =	vst v2  }
0x11b: {  	v6 =	vbroadcast v5, $0x5;
	[tilespmem:s1+$0xFFFFFF80] =	vst v3  }
0x11c: {  	v8 =	vbroadcast v5, $0x6;
	[tilespmem:s1+$0xFFFFFF90] =	vst v4  }
0x11d: {  	p3 =	por $0x1, $0x1;
	v9 =	vbroadcast v5, $0x7;
	[tilespmem:s1+$0xFFFFFFD0] =	vst v6  }
.Ltmp11:
0x11e: {  	v7 =	vbroadcast v5, $0xC;
	v2 =	vbroadcast v5, $0x2;
	[tilespmem:s1+$0xFFFFFFE0] =	vst v8;
	(pc) =	sbr.rel @!p3 .LBB2_17-.Ltmp11, $4  }
0x11f: {  	v3 =	vbroadcast v5, $0x3;
	v4 =	vbroadcast v5, $0x4;
	[tilespmem:s1+$0xFFFFFFF0] =	vst v9  }
0x120: {  	v6 =	vbroadcast v5, $0xB;
	v8 =	vbroadcast v5, $0xD;
	[tilespmem:s1+$0xFFFFFFA0] =	vst v2  }
0x121: {  	s11 =	simm.s32 $0x10;
	[tilespmem:s1+$0xFFFFFFB0] =	vst v3;
	v2 =	vbroadcast v5, $0x8;
	v3 =	vbroadcast v5, $0x9  }
0x122: {  	s20 =	simm.s32 $0x80;
	p2 =	por $0x1, $0x1;
	s2 =	simm.s32 $0x15900;
	[tilespmem:s1+$0xFFFFFFC0] =	vst v4;
	v4 =	vbroadcast v5, $0xA;
	v5 =	vbroadcast v5, $0xE  }
.LBB2_18:
0x123: {  	p3 =	sne.s32 s20, $0x7C0;
	v9 =	vld [tilespmem:s11+$0x17C70];
	[tilespmem:s2+$0x0] =	vst v2  }
0x124: {  	[tilespmem:s2+$0x10] =	vst v3  }
0x125: {  	[tilespmem:s2+$0x20] =	vst v4  }
0x126: {  	[tilespmem:s2+$0x30] =	vst v6  }
0x127: {  	[tilespmem:s2+$0x40] =	vst v7  }
0x128: {  	v2 =	vbroadcast v9, $0x0;
	v3 =	vbroadcast v9, $0xF;
	[tilespmem:s2+$0x50] =	vst v8  }
0x129: {  	v4 =	vbroadcast v9, $0x1;
	v6 =	vbroadcast v9, $0x2;
	[tilespmem:s2+$0x60] =	vst v5;
	s2 =	sadd.s32 $0x100, s2  }
0x12a: {  	v8 =	vbroadcast v9, $0x4;
	v5 =	vbroadcast v9, $0x3;
	[tilespmem:s2+$0x70] =	vst v3  }
0x12b: {  	v10 =	vbroadcast v9, $0x5;
	v11 =	vbroadcast v9, $0x6;
	[tilespmem:s2+$0xFFFFFF80] =	vst v2  }
0x12c: {  	v12 =	vbroadcast v9, $0x7;
	v2 =	vbroadcast v9, $0x8;
	[tilespmem:s2+$0xFFFFFF90] =	vst v4  }
0x12d: {  	v3 =	vbroadcast v9, $0x9;
	v4 =	vbroadcast v9, $0xA;
	[tilespmem:s2+$0xFFFFFFA0] =	vst v6  }
.Ltmp12:
0x12e: {  	v7 =	vbroadcast v9, $0xC;
	v6 =	vbroadcast v9, $0xB;
	[tilespmem:s2+$0xFFFFFFB0] =	vst v5;
	(pc) =	sbr.rel @p3 .LBB2_18-.Ltmp12, $4  }
0x12f: {  	v5 =	vbroadcast v9, $0xE;
	[tilespmem:s2+$0xFFFFFFC0] =	vst v8;
	v8 =	vbroadcast v9, $0xD  }
0x130: {  	[tilespmem:s2+$0xFFFFFFD0] =	vst v10  }
0x131: {  	[tilespmem:s2+$0xFFFFFFE0] =	vst v11  }
0x132: {  	s11 =	sshra.s32 s20, $0x2;
	s20 =	sadd.s32 $0x40, s20;
	[tilespmem:s2+$0xFFFFFFF0] =	vst v12  }
.LBB2_19:
0x133: {  	v9 =	vld [tilespmem:s11+$0x17C70];
	[tilespmem:s2+$0x0] =	vst @p2 v2  }
0x134: {  	[tilespmem:s2+$0x10] =	vst @p2 v3  }
0x135: {  	[tilespmem:s2+$0x20] =	vst @p2 v4  }
0x136: {  	[tilespmem:s2+$0x30] =	vst @p2 v6  }
0x137: {  	[tilespmem:s2+$0x40] =	vst @p2 v7  }
0x138: {  	[tilespmem:s2+$0x50] =	vst @p2 v8;
	s11 =	sadd.s32 @p2 $0x100, s2;
	v2 =	vbroadcast v9, $0xF  }
0x139: {  	[tilespmem:s2+$0x60] =	vst @p2 v5;
	s1 =	smov.u32 @p2 s11;
	v3 =	vbroadcast v9, $0x0  }
0x13a: {  	v4 =	vbroadcast v9, $0x1;
	[tilespmem:s1+$0x70] =	vst v2  }
0x13b: {  	v2 =	vbroadcast v9, $0x2;
	[tilespmem:s1+$0xFFFFFF80] =	vst v3  }
0x13c: {  	v3 =	vbroadcast v9, $0x3;
	[tilespmem:s1+$0xFFFFFF90] =	vst v4  }
0x13d: {  	v4 =	vbroadcast v9, $0x4;
	[tilespmem:s1+$0xFFFFFFA0] =	vst v2  }
0x13e: {  	v2 =	vbroadcast v9, $0x5;
	[tilespmem:s1+$0xFFFFFFB0] =	vst v3  }
0x13f: {  	v3 =	vbroadcast v9, $0x6;
	[tilespmem:s1+$0xFFFFFFC0] =	vst v4  }
0x140: {  	v4 =	vbroadcast v9, $0x7;
	[tilespmem:s1+$0xFFFFFFD0] =	vst v2  }
0x141: {  	v2 =	vbroadcast v9, $0x8;
	[tilespmem:s1+$0xFFFFFFE0] =	vst v3  }
0x142: {  	v3 =	vbroadcast v9, $0x9;
	[tilespmem:s1+$0xFFFFFFF0] =	vst v4  }
0x143: {  	v4 =	vbroadcast v9, $0xA;
	[tilespmem:s1+$0x0] =	vst v2  }
0x144: {  	v2 =	vbroadcast v9, $0xB;
	[tilespmem:s1+$0x10] =	vst v3  }
0x145: {  	v3 =	vbroadcast v9, $0xC;
	[tilespmem:s1+$0x20] =	vst v4  }
0x146: {  	v4 =	vbroadcast v9, $0xD;
	[tilespmem:s1+$0x30] =	vst v2  }
0x147: {  	v2 =	vbroadcast v9, $0xE;
	[tilespmem:s1+$0x40] =	vst v3  }
0x148: {  	[tilespmem:s1+$0x50] =	vst v4  }
0x149: {  	[tilespmem:s1+$0x60] =	vst v2  }
0x14a: {  	[tilespmem:s24], [sflag:$0x1] =	stream.indirect.gather [spmem:s7], $0x10, s15, s23, $0xb8;
	[tilespmem:$0x1E4F0] =	vst v63  }
0x14b: {  	_ =	swait.ge [sflag:s16], $0x2000  }
0x14c: {  	[sflag:s16] =	ssyncset.done $0x0  }
0x14d: {  	s1 =	simm.s32 $0x138A0;
	[sflag:s16] =	ssyncadd.s32 $0xFFFFE000  }
0x14e: {  	s2 =	simm.s32 $0x158A0;
	v7 =	vld [tilespmem:s1+$0x10]  }
0x14f: {  	v8 =	vld [tilespmem:s2+$0x10]  }
0x150: {  	v4 =	vld [tilespmem:s2+$0xFFFFFFE0]  }
0x151: {  	v2 =	vld [tilespmem:s1+$0xFFFFFFF0]  }
0x152: {  	v6 =	vld [tilespmem:s2+$0xFFFFFFF0]  }
0x153: {  	v3 =	vld [tilespmem:s1+$0x0]  }
0x154: {  	v5 =	vld [tilespmem:s2+$0x0];
	v8 =	vmul.f32 v8, v7  }
0x155: {  	s20 =	simm.s32 $0x138E0;
	s11 =	simm.s32 $0x0;
	v7 =	vld [tilespmem:s1+$0xFFFFFFE0]  }
.LBB2_20:
0x156: {  	v9 =	vld [tilespmem:s20+$0x10];
	[tilespmem:s1+$0x10] =	vst v8;
	s2 =	sadd.s32 $0x40, s2  }
0x157: {  	s11 =	sadd.s32 $0x4, s11;
	v8 =	vld [tilespmem:s2+$0x10];
	v6 =	vmul.f32 v6, v2  }
0x158: {  	p2 =	slt.u32 s11, $0x1FC;
	v10 =	vld [tilespmem:s2+$0xFFFFFFE0]  }
.Ltmp13:
0x159: {  	v2 =	vld [tilespmem:s20+$0xFFFFFFF0];
	[tilespmem:s1+$0xFFFFFFF0] =	vst v6;
	v5 =	vmul.f32 v5, v3;
	(pc) =	sbr.rel @p2 .LBB2_20-.Ltmp13, $4  }
0x15a: {  	v6 =	vld [tilespmem:s2+$0xFFFFFFF0];
	v11 =	vmul.f32 v4, v7  }
0x15b: {  	v3 =	vld [tilespmem:s20+$0x0];
	[tilespmem:s1+$0x0] =	vst v5  }
0x15c: {  	v5 =	vld [tilespmem:s2+$0x0];
	v8 =	vmul.f32 v8, v9;
	[tilespmem:s1+$0xFFFFFFE0] =	vst v11;
	s1 =	smov.u32 s20  }
0x15d: {  	s20 =	sadd.s32 $0x40, s20;
	v7 =	vld [tilespmem:s1+$0xFFFFFFE0];
	v4 =	vmov v10  }
0x15e: {  	_ =	sdelay $0x1  }
0x15f: {  	v2 =	vmul.f32 v6, v2  }
0x160: {  	[tilespmem:s1+$0x10] =	vst v8;
	v3 =	vmul.f32 v5, v3  }
0x161: {  	[tilespmem:s1+$0xFFFFFFF0] =	vst v2;
	v2 =	vmul.f32 v4, v7  }
0x162: {  	[tilespmem:s1+$0x0] =	vst v3  }
0x163: {  	[tilespmem:s1+$0xFFFFFFE0] =	vst v2  }
0x164: {  	[spmem:s9] =	stream.indirect.scatter.add.f32 [tilespmem:s24], [sflag:$0x1], $0x10, s17, s23, $0xb8;
	[tilespmem:$0x1E4F0] =	vst v63  }
0x165: {  	_ =	swait.ge [sflag:s16], $0x2000  }
0x166: {  	[sflag:s16] =	ssyncset.done $0x0  }
0x167: {  	s25 =	simm.s32 $0x3E80;
	[sflag:s16] =	ssyncadd.s32 $0xFFFFE000  }
0x168: {  	[tilespmem:s25], [sflag:$0x1] =	stream.linear.gather [spmem:s9], $0x3E80, $0x38;
	[tilespmem:$0x1E4F0] =	vst v63  }
0x169: {  	_ =	swait.ge [sflag:s16], $0x3E80  }
0x16a: {  	[sflag:s16] =	ssyncset.done $0x0  }
0x16b: {  	[sflag:s16] =	ssyncadd.s32 $0xFFFFC180  }
0x16c: {  	[spmem:s7] =	stream.linear.scatter [tilespmem:s26], [sflag:$0x1], $0x3E80, $0x38;
	[tilespmem:$0x1E4F0] =	vst v63  }
0x16d: {  	_ =	swait.ge [sflag:s16], $0x3E80  }
0x16e: {  	[sflag:s16] =	ssyncset.done $0x0  }
0x16f: {  	[sflag:s16] =	ssyncadd.s32 $0xFFFFC180  }
0x170: {  	[tilespmem:s24], [sflag:$0x1] =	stream.indirect.gather [spmem:s9], $0x10, s15, s23, $0xb8;
	[tilespmem:$0x1E4F0] =	vst v63  }
0x171: {  	_ =	swait.ge [sflag:s16], $0x2000  }
0x172: {  	[sflag:s16] =	ssyncset.done $0x0  }
0x173: {  	s1 =	simm.s32 $0x138A0;
	[sflag:s16] =	ssyncadd.s32 $0xFFFFE000  }
0x174: {  	s2 =	simm.s32 $0x158A0;
	v7 =	vld [tilespmem:s1+$0x10]  }
0x175: {  	v8 =	vld [tilespmem:s2+$0x10]  }
0x176: {  	v4 =	vld [tilespmem:s2+$0xFFFFFFE0]  }
0x177: {  	v2 =	vld [tilespmem:s1+$0xFFFFFFF0]  }
0x178: {  	v6 =	vld [tilespmem:s2+$0xFFFFFFF0]  }
0x179: {  	v3 =	vld [tilespmem:s1+$0x0]  }
0x17a: {  	v5 =	vld [tilespmem:s2+$0x0];
	v8 =	vmul.f32 v8, v7  }
0x17b: {  	s11 =	simm.s32 $0x0;
	s20 =	simm.s32 $0x138E0;
	v7 =	vld [tilespmem:s1+$0xFFFFFFE0]  }
.LBB2_22:
0x17c: {  	v9 =	vld [tilespmem:s20+$0x10];
	[tilespmem:s1+$0x10] =	vst v8;
	s2 =	sadd.s32 $0x40, s2  }
0x17d: {  	s11 =	sadd.s32 $0x4, s11;
	v8 =	vld [tilespmem:s2+$0x10];
	v6 =	vmul.f32 v6, v2  }
0x17e: {  	p2 =	slt.u32 s11, $0x1FC;
	v10 =	vld [tilespmem:s2+$0xFFFFFFE0]  }
.Ltmp14:
0x17f: {  	v2 =	vld [tilespmem:s20+$0xFFFFFFF0];
	[tilespmem:s1+$0xFFFFFFF0] =	vst v6;
	v5 =	vmul.f32 v5, v3;
	(pc) =	sbr.rel @p2 .LBB2_22-.Ltmp14, $4  }
0x180: {  	v6 =	vld [tilespmem:s2+$0xFFFFFFF0];
	v11 =	vmul.f32 v4, v7  }
0x181: {  	v3 =	vld [tilespmem:s20+$0x0];
	[tilespmem:s1+$0x0] =	vst v5  }
0x182: {  	v5 =	vld [tilespmem:s2+$0x0];
	v8 =	vmul.f32 v8, v9;
	[tilespmem:s1+$0xFFFFFFE0] =	vst v11;
	s1 =	smov.u32 s20  }
0x183: {  	s20 =	sadd.s32 $0x40, s20;
	v7 =	vld [tilespmem:s1+$0xFFFFFFE0];
	v4 =	vmov v10  }
0x184: {  	_ =	sdelay $0x1  }
0x185: {  	v2 =	vmul.f32 v6, v2  }
0x186: {  	[tilespmem:s1+$0x10] =	vst v8;
	v3 =	vmul.f32 v5, v3  }
0x187: {  	[tilespmem:s1+$0xFFFFFFF0] =	vst v2;
	v2 =	vmul.f32 v4, v7  }
0x188: {  	[tilespmem:s1+$0x0] =	vst v3  }
0x189: {  	[tilespmem:s1+$0xFFFFFFE0] =	vst v2  }
0x18a: {  	[spmem:s7] =	stream.indirect.scatter.add.f32 [tilespmem:s24], [sflag:$0x1], $0x10, s17, s23, $0xb8;
	[tilespmem:$0x1E4F0] =	vst v63  }
0x18b: {  	_ =	swait.ge [sflag:s16], $0x2000  }
0x18c: {  	[sflag:s16] =	ssyncset.done $0x0  }
0x18d: {  	[sflag:s16] =	ssyncadd.s32 $0xFFFFE000  }
0x18e: {  	[tilespmem:s26], [sflag:$0x1] =	stream.linear.gather [spmem:s7], $0x3E80, $0x38;
	[tilespmem:$0x1E4F0] =	vst v63  }
0x18f: {  	_ =	swait.ge [sflag:s16], $0x3E80  }
0x190: {  	[sflag:s16] =	ssyncset.done $0x0  }
0x191: {  	[sflag:s16] =	ssyncadd.s32 $0xFFFFC180  }
0x192: {  	[spmem:s9] =	stream.linear.scatter [tilespmem:s28], [sflag:$0x1], $0x3E80, $0x38;
	[tilespmem:$0x1E4F0] =	vst v63  }
0x193: {  	_ =	swait.ge [sflag:s16], $0x3E80  }
0x194: {  	[sflag:s16] =	ssyncset.done $0x0  }
0x195: {  	[sflag:s16] =	ssyncadd.s32 $0xFFFFC180  }
0x196: {  	[tilespmem:s24], [sflag:$0x1] =	stream.indirect.gather [spmem:s7], $0x10, s15, s23, $0xb8;
	[tilespmem:$0x1E4F0] =	vst v63  }
0x197: {  	_ =	swait.ge [sflag:s16], $0x2000  }
0x198: {  	[sflag:s16] =	ssyncset.done $0x0  }
0x199: {  	s1 =	simm.s32 $0x138A0;
	[sflag:s16] =	ssyncadd.s32 $0xFFFFE000  }
0x19a: {  	s2 =	simm.s32 $0x158A0;
	v7 =	vld [tilespmem:s1+$0x10]  }
0x19b: {  	v8 =	vld [tilespmem:s2+$0x10]  }
0x19c: {  	v4 =	vld [tilespmem:s2+$0xFFFFFFE0]  }
0x19d: {  	v2 =	vld [tilespmem:s1+$0xFFFFFFF0]  }
0x19e: {  	v6 =	vld [tilespmem:s2+$0xFFFFFFF0]  }
0x19f: {  	v3 =	vld [tilespmem:s1+$0x0]  }
0x1a0: {  	v5 =	vld [tilespmem:s2+$0x0];
	v8 =	vmul.f32 v8, v7  }
0x1a1: {  	s11 =	simm.s32 $0x0;
	s20 =	simm.s32 $0x138E0;
	v7 =	vld [tilespmem:s1+$0xFFFFFFE0]  }
.LBB2_24:
0x1a2: {  	v9 =	vld [tilespmem:s20+$0x10];
	[tilespmem:s1+$0x10] =	vst v8;
	s2 =	sadd.s32 $0x40, s2  }
0x1a3: {  	s11 =	sadd.s32 $0x4, s11;
	v8 =	vld [tilespmem:s2+$0x10];
	v6 =	vmul.f32 v6, v2  }
0x1a4: {  	p2 =	slt.u32 s11, $0x1FC;
	v10 =	vld [tilespmem:s2+$0xFFFFFFE0]  }
.Ltmp15:
0x1a5: {  	v2 =	vld [tilespmem:s20+$0xFFFFFFF0];
	[tilespmem:s1+$0xFFFFFFF0] =	vst v6;
	v5 =	vmul.f32 v5, v3;
	(pc) =	sbr.rel @p2 .LBB2_24-.Ltmp15, $4  }
0x1a6: {  	v6 =	vld [tilespmem:s2+$0xFFFFFFF0];
	v11 =	vmul.f32 v4, v7  }
0x1a7: {  	v3 =	vld [tilespmem:s20+$0x0];
	[tilespmem:s1+$0x0] =	vst v5  }
0x1a8: {  	v5 =	vld [tilespmem:s2+$0x0];
	v8 =	vmul.f32 v8, v9;
	[tilespmem:s1+$0xFFFFFFE0] =	vst v11;
	s1 =	smov.u32 s20  }
0x1a9: {  	s20 =	sadd.s32 $0x40, s20;
	v7 =	vld [tilespmem:s1+$0xFFFFFFE0];
	v4 =	vmov v10  }
0x1aa: {  	_ =	sdelay $0x1  }
0x1ab: {  	v2 =	vmul.f32 v6, v2  }
0x1ac: {  	[tilespmem:s1+$0x10] =	vst v8;
	v3 =	vmul.f32 v5, v3  }
0x1ad: {  	[tilespmem:s1+$0xFFFFFFF0] =	vst v2;
	v2 =	vmul.f32 v4, v7  }
0x1ae: {  	[tilespmem:s1+$0x0] =	vst v3  }
0x1af: {  	[tilespmem:s1+$0xFFFFFFE0] =	vst v2  }
0x1b0: {  	[spmem:s9] =	stream.indirect.scatter.add.f32 [tilespmem:s24], [sflag:$0x1], $0x10, s17, s23, $0xb8;
	[tilespmem:$0x1E4F0] =	vst v63  }
0x1b1: {  	_ =	swait.ge [sflag:s16], $0x2000  }
0x1b2: {  	[sflag:s16] =	ssyncset.done $0x0  }
0x1b3: {  	[sflag:s16] =	ssyncadd.s32 $0xFFFFE000  }
0x1b4: {  	[tilespmem:s28], [sflag:$0x1] =	stream.linear.gather [spmem:s9], $0x3E80, $0x38;
	[tilespmem:$0x1E4F0] =	vst v63  }
0x1b5: {  	_ =	swait.ge [sflag:s16], $0x3E80  }
0x1b6: {  	[sflag:s16] =	ssyncset.done $0x0  }
0x1b7: {  	[sflag:s16] =	ssyncadd.s32 $0xFFFFC180  }
0x1b8: {  	v4 =	vld [tilespmem:$0x18270]  }
0x1b9: {  	v5 =	vld [tilespmem:$0x18280]  }
0x1ba: {  	v3 =	vld [tilespmem:$0x18290]  }
0x1bb: {  	s20 =	simm.s32 $0x10;
	v2 =	vld [tilespmem:$0x182A0]  }
0x1bc: {  	s2 =	simm.s32 $0x3E90;
	v6 =	vld [tilespmem:s20+$0x0]  }
0x1bd: {  	v7 =	vld [tilespmem:s2+$0x0]  }
0x1be: {  	s11 =	simm.s32 $0x7D10;
	v8 =	vld [tilespmem:s2+$0xFFFFFFF0]  }
0x1bf: {  	v9 =	vld [tilespmem:s11+$0x0]  }
0x1c0: {  	s21 =	simm.s32 $0xBB90;
	v10 =	vld [tilespmem:s20+$0xFFFFFFF0]  }
0x1c1: {  	v11 =	vld [tilespmem:s21+$0x0]  }
0x1c2: {  	v12 =	vld [tilespmem:s11+$0xFFFFFFF0]  }
0x1c3: {  	s25 =	simm.s32 $0x30;
	v13 =	vld [tilespmem:s21+$0xFFFFFFF0];
	v6 =	vmul.f32 v6, v4;
	v7 =	vmul.f32 v7, v5  }
0x1c4: {  	s1 =	simm.s32 $0x3EB0;
	v14 =	vld [tilespmem:s25+$0x0];
	v8 =	vmul.f32 v8, v5  }
0x1c5: {  	v15 =	vld [tilespmem:s1+$0x0];
	v6 =	vadd.f32 v7, v6;
	v7 =	vmul.f32 v9, v3;
	v9 =	vmul.f32 v10, v4  }
0x1c6: {  	s20 =	simm.s32 $0x7D30;
	v11 =	vmul.f32 v11, v2;
	v10 =	vld [tilespmem:s1+$0xFFFFFFF0]  }
0x1c7: {  	v12 =	vmul.f32 v12, v3;
	v7 =	vadd.f32 v7, v6;
	v6 =	vld [tilespmem:s20+$0x0];
	v9 =	vadd.f32 v8, v9  }
0x1c8: {  	s21 =	simm.s32 $0xBBB0;
	v8 =	vld [tilespmem:s25+$0xFFFFFFF0]  }
0x1c9: {  	v16 =	vmul.f32 v13, v2;
	v11 =	vadd.f32 v11, v7;
	v7 =	vld [tilespmem:s21+$0x0];
	v12 =	vadd.f32 v12, v9  }
0x1ca: {  	s2 =	simm.s32 $0xFA10;
	v13 =	vmul.f32 v14, v4;
	v14 =	vmul.f32 v15, v5;
	v9 =	vld [tilespmem:s20+$0xFFFFFFF0]  }
0x1cb: {  	s11 =	simm.s32 $0x50;
	s25 =	simm.s32 $0x2;
	[tilespmem:s2+$0x0] =	vst v11;
	v11 =	vmul.f32 v10, v5;
	v10 =	vld [tilespmem:s21+$0xFFFFFFF0];
	v12 =	vadd.f32 v16, v12  }
.LBB2_26:
0x1cc: {  	v15 =	vld [tilespmem:s11+$0x0];
	v13 =	vadd.f32 v14, v13;
	v6 =	vmul.f32 v6, v3;
	s1 =	sadd.s32 $0x20, s1  }
0x1cd: {  	s25 =	sadd.s32 $0x2, s25;
	v14 =	vld [tilespmem:s1+$0x0];
	v8 =	vmul.f32 v8, v4;
	[tilespmem:s2+$0xFFFFFFF0] =	vst v12  }
0x1ce: {  	s20 =	sadd.s32 $0x20, s20;
	p2 =	slt.u32 s25, $0x3E6;
	v12 =	vld [tilespmem:s1+$0xFFFFFFF0];
	v13 =	vadd.f32 v6, v13;
	v7 =	vmul.f32 v7, v2  }
.Ltmp16:
0x1cf: {  	v6 =	vld [tilespmem:s20+$0x0];
	v11 =	vadd.f32 v11, v8;
	v9 =	vmul.f32 v9, v3;
	(pc) =	sbr.rel @p2 .LBB2_26-.Ltmp16, $4  }
0x1d0: {  	s21 =	sadd.s32 $0x20, s21;
	v8 =	vld [tilespmem:s11+$0xFFFFFFF0];
	v16 =	vmul.f32 v10, v2;
	v10 =	vadd.f32 v7, v13  }
0x1d1: {  	s2 =	sadd.s32 $0x20, s2;
	v7 =	vld [tilespmem:s21+$0x0];
	v17 =	vadd.f32 v9, v11  }
0x1d2: {  	v13 =	vmul.f32 v15, v4;
	v9 =	vld [tilespmem:s20+$0xFFFFFFF0];
	v14 =	vmul.f32 v14, v5;
	[tilespmem:s2+$0x0] =	vst v10  }
0x1d3: {  	s11 =	sadd.s32 $0x20, s11;
	v11 =	vmul.f32 v12, v5;
	v10 =	vld [tilespmem:s21+$0xFFFFFFF0];
	v12 =	vadd.f32 v16, v17  }
0x1d4: {  	_ = 	snop  }
0x1d5: {  	v4 =	vmul.f32 v8, v4  }
0x1d6: {  	v5 =	vadd.f32 v14, v13;
	v6 =	vmul.f32 v6, v3  }
0x1d7: {  	v4 =	vadd.f32 v11, v4;
	v3 =	vmul.f32 v9, v3  }
0x1d8: {  	v5 =	vadd.f32 v6, v5;
	v63 =	vmul.f32 v7, v2  }
0x1d9: {  	v2 =	vmul.f32 v10, v2;
	v3 =	vadd.f32 v3, v4  }
0x1da: {  	p3 =	por $0x1, $0x1;
	v4 =	vadd.f32 v63, v5  }
.Ltmp17:
0x1db: {  	s1 =	sadd.s32 $0x20, s2;
	[tilespmem:s2+$0xFFFFFFF0] =	vst v12;
	v2 =	vadd.f32 v2, v3;
	(pc) =	sbr.rel @!p3 .LBB2_28-.Ltmp17, $4  }
0x1dc: {  	[tilespmem:s1+$0x0] =	vst v4  }
0x1dd: {  	[tilespmem:s1+$0xFFFFFFF0] =	vst v2;
	s1 =	simm.s32 $0x0  }
0x1de: {  	v3 =	vld [tilespmem:s1+$0x17E70]  }
0x1df: {  	p2 =	por $0x0, $0x0;
	v2 =	vld [tilespmem:s1+$0x18070]  }
0x1e0: {  	_ =	sdelay $0x2  }
0x1e1: {  	v4 =	vshll.u32 v3, $0x4  }
0x1e2: {  	v5 =	vshll.u32 v2, $0x4  }
0x1e3: {  	s2 =	simm.s32 $0x10;
	v6 =	vor.u32 $0x1, v4  }
0x1e4: {  	v3 =	vld [tilespmem:s2+$0x17E70];
	v8 =	vor.u32 $0x2, v4  }
0x1e5: {  	v2 =	vld [tilespmem:s2+$0x18070];
	v7 =	vor.u32 $0x1, v5  }
0x1e6: {  	v12 =	vor.u32 $0x3, v4;
	v9 =	vld.idx.msk [tilespmem:v4+s29+$0x0], $0xffff  }
0x1e7: {  	v10 =	vor.u32 $0x2, v5;
	v11 =	vld.idx.msk [tilespmem:v5+s29+$0x0], $0xffff  }
0x1e8: {  	v13 =	vor.u32 $0x3, v5;
	v6 =	vld.idx.msk [tilespmem:v6+s29+$0x0], $0xffff  }
0x1e9: {  	v14 =	vor.u32 $0x4, v4;
	v8 =	vld.idx.msk [tilespmem:v8+s29+$0x0], $0xffff  }
0x1ea: {  	v15 =	vor.u32 $0x4, v5;
	v7 =	vld.idx.msk [tilespmem:v7+s29+$0x0], $0xffff  }
0x1eb: {  	v16 =	vor.u32 $0x5, v4;
	v12 =	vld.idx.msk [tilespmem:v12+s29+$0x0], $0xffff  }
0x1ec: {  	v17 =	vor.u32 $0x5, v5;
	v10 =	vld.idx.msk [tilespmem:v10+s29+$0x0], $0xffff  }
0x1ed: {  	v9 =	vmul.f32 v11, v9;
	v11 =	vld.idx.msk [tilespmem:v13+s29+$0x0], $0xffff;
	v13 =	vor.u32 $0x6, v4  }
0x1ee: {  	v18 =	vor.u32 $0x6, v5;
	v14 =	vld.idx.msk [tilespmem:v14+s29+$0x0], $0xffff  }
0x1ef: {  	v6 =	vmul.f32 v7, v6;
	v7 =	vld.idx.msk [tilespmem:v15+s29+$0x0], $0xffff;
	v15 =	vor.u32 $0x7, v4;
	v9 =	vadd.f32 $0.0e+00, v9  }
0x1f0: {  	v19 =	vor.u32 $0x7, v5;
	v16 =	vld.idx.msk [tilespmem:v16+s29+$0x0], $0xffff  }
0x1f1: {  	v8 =	vmul.f32 v10, v8;
	v10 =	vor.u32 $0x8, v4;
	v6 =	vadd.f32 v6, v9;
	v9 =	vld.idx.msk [tilespmem:v17+s29+$0x0], $0xffff  }
0x1f2: {  	v17 =	vor.u32 $0x8, v5;
	v13 =	vld.idx.msk [tilespmem:v13+s29+$0x0], $0xffff  }
0x1f3: {  	v6 =	vadd.f32 v8, v6;
	v8 =	vmul.f32 v11, v12;
	v11 =	vld.idx.msk [tilespmem:v18+s29+$0x0], $0xffff;
	v12 =	vor.u32 $0x9, v4  }
0x1f4: {  	v15 =	vld.idx.msk [tilespmem:v15+s29+$0x0], $0xffff;
	v18 =	vor.u32 $0x9, v5  }
0x1f5: {  	v7 =	vmul.f32 v7, v14;
	v14 =	vor.u32 $0xA, v4;
	v6 =	vadd.f32 v8, v6;
	v8 =	vld.idx.msk [tilespmem:v19+s29+$0x0], $0xffff  }
0x1f6: {  	v10 =	vld.idx.msk [tilespmem:v10+s29+$0x0], $0xffff;
	v9 =	vmul.f32 v9, v16;
	v16 =	vor.u32 $0xB, v4  }
0x1f7: {  	v19 =	vor.u32 $0xA, v5;
	v20 =	vld.idx.msk [tilespmem:v17+s29+$0x0], $0xffff;
	v7 =	vadd.f32 v7, v6  }
0x1f8: {  	v6 =	vld.idx.msk [tilespmem:v12+s29+$0x0], $0xffff;
	v12 =	vor.u32 $0xB, v5  }
0x1f9: {  	p3 =	por $0x1, $0x1;
	v21 =	vor.u32 $0xC, v4;
	v11 =	vmul.f32 v11, v13;
	v17 =	vadd.f32 v9, v7;
	v9 =	vld.idx.msk [tilespmem:v18+s29+$0x0], $0xffff  }
.Ltmp18:
0x1fa: {  	v7 =	vld.idx.msk [tilespmem:v14+s29+$0x0], $0xffff;
	v14 =	vmul.f32 v8, v15;
	v15 =	vor.u32 $0xC, v5;
	(pc) =	sbr.rel @!p3 .LBB2_30-.Ltmp18, $4  }
0x1fb: {  	v13 =	vadd.f32 v11, v17;
	v8 =	vld.idx.msk [tilespmem:v16+s29+$0x0], $0xffff;
	v16 =	vor.u32 $0xD, v4  }
0x1fc: {  	v11 =	vld.idx.msk [tilespmem:v19+s29+$0x0], $0xffff;
	v17 =	vor.u32 $0xD, v5  }
0x1fd: {  	v18 =	vor.u32 $0xE, v4;
	v13 =	vadd.f32 v14, v13;
	v12 =	vld.idx.msk [tilespmem:v12+s29+$0x0], $0xffff;
	v14 =	vmul.f32 v20, v10  }
0x1fe: {  	s20 =	simm.s32 $0x80;
	p2 =	por $0x1, $0x1;
	v19 =	vor.u32 $0xE, v5;
	v10 =	vld.idx.msk [tilespmem:v21+s29+$0x0], $0xffff  }
.LBB2_31:
0x1ff: {  	p3 =	sne.s32 s20, $0x7C0;
	v13 =	vadd.f32 v14, v13;
	v6 =	vmul.f32 v9, v6;
	v9 =	vld.idx.msk [tilespmem:v15+s29+$0x0], $0xffff;
	v14 =	vor.u32 $0xF, v4  }
0x200: {  	v15 =	vld.idx.msk [tilespmem:v16+s29+$0x0], $0xffff;
	v16 =	vor.u32 $0xF, v5  }
0x201: {  	v5 =	vadd.f32 v6, v13;
	v6 =	vmul.f32 v11, v7;
	v7 =	vld.idx.msk [tilespmem:v17+s29+$0x0], $0xffff  }
0x202: {  	v11 =	vld.idx.msk [tilespmem:v18+s29+$0x0], $0xffff  }
0x203: {  	v4 =	vshll.u32 v3, $0x4;
	v3 =	vadd.f32 v6, v5;
	v6 =	vmul.f32 v12, v8;
	v8 =	vld.idx.msk [tilespmem:v19+s29+$0x0], $0xffff  }
0x204: {  	v5 =	vshll.u32 v2, $0x4;
	v12 =	vld.idx.msk [tilespmem:v14+s29+$0x0], $0xffff  }
0x205: {  	s11 =	sshra.s32 s20, $0x2;
	v13 =	vor.u32 $0x1, v4;
	v9 =	vmul.f32 v9, v10;
	v6 =	vadd.f32 v6, v3;
	v10 =	vld.idx.msk [tilespmem:v16+s29+$0x0], $0xffff  }
0x206: {  	v14 =	vor.u32 $0x1, v5;
	v3 =	vld [tilespmem:s11+$0x17E70]  }
0x207: {  	v16 =	vor.u32 $0x2, v4;
	v7 =	vmul.f32 v7, v15;
	v2 =	vld [tilespmem:s11+$0x18070];
	v6 =	vadd.f32 v9, v6  }
0x208: {  	v15 =	vor.u32 $0x2, v5;
	v9 =	vld.idx.msk [tilespmem:v4+s29+$0x0], $0xffff  }
0x209: {  	v18 =	vor.u32 $0x3, v4;
	v17 =	vld.idx.msk [tilespmem:v5+s29+$0x0], $0xffff;
	v6 =	vadd.f32 v7, v6;
	v7 =	vmul.f32 v8, v11  }
0x20a: {  	v11 =	vor.u32 $0x3, v5;
	v8 =	vld.idx.msk [tilespmem:v13+s29+$0x0], $0xffff  }
0x20b: {  	v13 =	vld.idx.msk [tilespmem:v14+s29+$0x0], $0xffff;
	v14 =	vor.u32 $0x4, v4;
	v6 =	vadd.f32 v7, v6;
	v7 =	vmul.f32 v10, v12  }
0x20c: {  	v12 =	vor.u32 $0x4, v5;
	v10 =	vld.idx.msk [tilespmem:v16+s29+$0x0], $0xffff  }
0x20d: {  	v16 =	vor.u32 $0x5, v4;
	v15 =	vld.idx.msk [tilespmem:v15+s29+$0x0], $0xffff;
	v6 =	vadd.f32 v7, v6  }
0x20e: {  	v7 =	vld.idx.msk [tilespmem:v18+s29+$0x0], $0xffff;
	v18 =	vor.u32 $0x5, v5  }
0x20f: {  	v9 =	vmul.f32 v17, v9;
	v17 =	vor.u32 $0x6, v4;
	v11 =	vld.idx.msk [tilespmem:v11+s29+$0x0], $0xffff;
	[tilespmem:s1+$0x1C130] =	vst v6;
	s1 =	smov.u32 s2;
	s2 =	smov.u32 s11  }
0x210: {  	v6 =	vld.idx.msk [tilespmem:v14+s29+$0x0], $0xffff;
	v14 =	vor.u32 $0x6, v5  }
0x211: {  	v9 =	vadd.f32 $0.0e+00, v9;
	v8 =	vmul.f32 v13, v8;
	v13 =	vor.u32 $0x7, v4;
	v12 =	vld.idx.msk [tilespmem:v12+s29+$0x0], $0xffff  }
0x212: {  	v19 =	vor.u32 $0x7, v5;
	v16 =	vld.idx.msk [tilespmem:v16+s29+$0x0], $0xffff  }
0x213: {  	v8 =	vadd.f32 v8, v9;
	v9 =	vmul.f32 v15, v10;
	v15 =	vor.u32 $0x8, v4;
	v10 =	vld.idx.msk [tilespmem:v18+s29+$0x0], $0xffff  }
0x214: {  	v18 =	vor.u32 $0x8, v5;
	v17 =	vld.idx.msk [tilespmem:v17+s29+$0x0], $0xffff  }
0x215: {  	v8 =	vadd.f32 v9, v8;
	v7 =	vmul.f32 v11, v7;
	v11 =	vor.u32 $0x9, v4;
	v9 =	vld.idx.msk [tilespmem:v14+s29+$0x0], $0xffff  }
0x216: {  	v14 =	vor.u32 $0x9, v5;
	v13 =	vld.idx.msk [tilespmem:v13+s29+$0x0], $0xffff  }
0x217: {  	v7 =	vadd.f32 v7, v8;
	v6 =	vmul.f32 v12, v6;
	v12 =	vor.u32 $0xA, v4;
	v8 =	vld.idx.msk [tilespmem:v19+s29+$0x0], $0xffff  }
0x218: {  	v20 =	vor.u32 $0xA, v5;
	v19 =	vld.idx.msk [tilespmem:v15+s29+$0x0], $0xffff  }
0x219: {  	v21 =	vor.u32 $0xB, v4;
	v7 =	vadd.f32 v6, v7;
	v10 =	vmul.f32 v10, v16;
	v18 =	vld.idx.msk [tilespmem:v18+s29+$0x0], $0xffff  }
0x21a: {  	v22 =	vor.u32 $0xB, v5;
	v6 =	vld.idx.msk [tilespmem:v11+s29+$0x0], $0xffff  }
0x21b: {  	v23 =	vor.u32 $0xC, v4;
	v10 =	vadd.f32 v10, v7;
	v11 =	vmul.f32 v9, v17;
	v9 =	vld.idx.msk [tilespmem:v14+s29+$0x0], $0xffff  }
.Ltmp19:
0x21c: {  	v15 =	vor.u32 $0xC, v5;
	v7 =	vld.idx.msk [tilespmem:v12+s29+$0x0], $0xffff;
	(pc) =	sbr.rel @p3 .LBB2_31-.Ltmp19, $4  }
0x21d: {  	v16 =	vor.u32 $0xD, v4;
	v10 =	vadd.f32 v11, v10;
	v12 =	vmul.f32 v8, v13;
	v11 =	vld.idx.msk [tilespmem:v20+s29+$0x0], $0xffff  }
0x21e: {  	v17 =	vor.u32 $0xD, v5;
	v8 =	vld.idx.msk [tilespmem:v21+s29+$0x0], $0xffff  }
0x21f: {  	v13 =	vadd.f32 v12, v10;
	v14 =	vmul.f32 v18, v19;
	v18 =	vor.u32 $0xE, v4;
	v12 =	vld.idx.msk [tilespmem:v22+s29+$0x0], $0xffff  }
0x220: {  	s20 =	sadd.s32 $0x40, s20;
	v19 =	vor.u32 $0xE, v5;
	v10 =	vld.idx.msk [tilespmem:v23+s29+$0x0], $0xffff  }
.Ltmp20:
0x221: {  	(pc) =	sbr.rel .LBB2_33-.Ltmp20, $2  }
0x222: {  	_ =	sdelay $0x2  }
0x223: {  	s20 =	smov.u32 s1;
	s1 =	smov.u32 s2  }
.LBB2_35:
0x224: {  	s1 =	rddreg [dreg:$0x5]  }
0x225: {  	[tilespmem:s31], [sflag:$0x1] =	stream.linear.gather [spmem:s1], $0x200, $0x38;
	[tilespmem:$0x1E4F0] =	vst v63  }
0x226: {  	_ =	swait.ge [sflag:s16], $0x200  }
0x227: {  	[sflag:s16] =	ssyncset.done $0x0  }
0x228: {  	s2 =	simm.s32 $0x1C340;
	[sflag:s16] =	ssyncadd.s32 $0xFFFFFE00  }
0x229: {  	s1 =	simm.s32 $0x1C140;
	v4 =	vld [tilespmem:s2+$0x0]  }
0x22a: {  	v5 =	vld [tilespmem:s1+$0x0]  }
0x22b: {  	v6 =	vld [tilespmem:s1+$0xFFFFFFF0]  }
0x22c: {  	v7 =	vld [tilespmem:s2+$0xFFFFFFF0]  }
0x22d: {  	s11 =	simm.s32 $0x1C360  }
0x22e: {  	s2 =	simm.s32 $0x1C160;
	v3 =	vld [tilespmem:s11+$0x0]  }
0x22f: {  	v2 =	vld [tilespmem:s2+$0xFFFFFFF0];
	v8 =	vadd.f32 v4, v5  }
0x230: {  	v4 =	vld [tilespmem:s2+$0x0]  }
0x231: {  	s20 =	simm.s32 $0x2;
	v6 =	vadd.f32 v7, v6;
	v5 =	vld [tilespmem:s11+$0xFFFFFFF0];
	[tilespmem:s1+$0x0] =	vst v8  }
.LBB2_36:
0x232: {  	s20 =	sadd.s32 $0x2, s20  }
0x233: {  	[tilespmem:s1+$0xFFFFFFF0] =	vst v6;
	s1 =	smov.u32 s2;
	p2 =	slt.u32 s20, $0x1E  }
.Ltmp21:
0x234: {  	s2 =	sadd.s32 $0x20, s2;
	v6 =	vmov v2;
	(pc) =	sbr.rel @p2 .LBB2_36-.Ltmp21, $4  }
0x235: {  	s11 =	sadd.s32 $0x20, s11;
	v2 =	vld [tilespmem:s2+$0xFFFFFFF0]  }
0x236: {  	v7 =	vadd.f32 v3, v4;
	v3 =	vld [tilespmem:s11+$0x0]  }
0x237: {  	v4 =	vld [tilespmem:s2+$0x0];
	v6 =	vadd.f32 v5, v6  }
0x238: {  	v5 =	vld [tilespmem:s11+$0xFFFFFFF0];
	[tilespmem:s1+$0x0] =	vst v7  }
0x239: {  	_ =	sdelay $0x2  }
0x23a: {  	v3 =	vadd.f32 v3, v4  }
0x23b: {  	[tilespmem:s1+$0xFFFFFFF0] =	vst v6;
	v2 =	vadd.f32 v5, v2  }
0x23c: {  	[tilespmem:s2+$0x0] =	vst v3  }
0x23d: {  	[tilespmem:s2+$0xFFFFFFF0] =	vst v2  }
0x23e: {  	[tilespmem:s31], [sflag:$0x1] =	stream.linear.gather [spmem:s12], $0x200, $0x38;
	[tilespmem:$0x1E4F0] =	vst v63  }
0x23f: {  	_ =	swait.ge [sflag:s16], $0x200  }
0x240: {  	[sflag:s16] =	ssyncset.done $0x0  }
0x241: {  	s25 =	simm.s32 $0x1C340;
	[sflag:s16] =	ssyncadd.s32 $0xFFFFFE00  }
0x242: {  	s1 =	simm.s32 $0x1C140;
	v4 =	vld [tilespmem:s25+$0x0]  }
0x243: {  	v5 =	vld [tilespmem:s1+$0x0]  }
0x244: {  	v6 =	vld [tilespmem:s1+$0xFFFFFFF0]  }
0x245: {  	v7 =	vld [tilespmem:s25+$0xFFFFFFF0]  }
0x246: {  	s2 =	simm.s32 $0x1C160  }
0x247: {  	s11 =	simm.s32 $0x1C360;
	v2 =	vld [tilespmem:s2+$0xFFFFFFF0]  }
0x248: {  	v3 =	vld [tilespmem:s11+$0x0];
	v8 =	vadd.f32 v4, v5  }
0x249: {  	v4 =	vld [tilespmem:s2+$0x0]  }
0x24a: {  	s20 =	simm.s32 $0x2;
	v6 =	vadd.f32 v7, v6;
	v5 =	vld [tilespmem:s11+$0xFFFFFFF0];
	[tilespmem:s1+$0x0] =	vst v8  }
.LBB2_38:
0x24b: {  	s20 =	sadd.s32 $0x2, s20  }
0x24c: {  	[tilespmem:s1+$0xFFFFFFF0] =	vst v6;
	s1 =	smov.u32 s2;
	p2 =	slt.u32 s20, $0x1E  }
.Ltmp22:
0x24d: {  	s2 =	sadd.s32 $0x20, s2;
	v6 =	vmov v2;
	(pc) =	sbr.rel @p2 .LBB2_38-.Ltmp22, $4  }
0x24e: {  	s11 =	sadd.s32 $0x20, s11;
	v2 =	vld [tilespmem:s2+$0xFFFFFFF0]  }
0x24f: {  	v7 =	vadd.f32 v3, v4;
	v3 =	vld [tilespmem:s11+$0x0]  }
0x250: {  	v4 =	vld [tilespmem:s2+$0x0];
	v6 =	vadd.f32 v5, v6  }
0x251: {  	v5 =	vld [tilespmem:s11+$0xFFFFFFF0];
	[tilespmem:s1+$0x0] =	vst v7  }
0x252: {  	_ =	sdelay $0x2  }
0x253: {  	v3 =	vadd.f32 v3, v4  }
0x254: {  	[tilespmem:s1+$0xFFFFFFF0] =	vst v6;
	v2 =	vadd.f32 v5, v2  }
0x255: {  	[tilespmem:s2+$0x0] =	vst v3  }
0x256: {  	[tilespmem:s2+$0xFFFFFFF0] =	vst v2  }
0x257: {  	[tilespmem:s31], [sflag:$0x1] =	stream.linear.gather [spmem:s13], $0x200, $0x38;
	[tilespmem:$0x1E4F0] =	vst v63  }
0x258: {  	_ =	swait.ge [sflag:s16], $0x200  }
0x259: {  	[sflag:s16] =	ssyncset.done $0x0  }
0x25a: {  	s25 =	simm.s32 $0x1C340;
	[sflag:s16] =	ssyncadd.s32 $0xFFFFFE00  }
0x25b: {  	s1 =	simm.s32 $0x1C140;
	v4 =	vld [tilespmem:s25+$0x0]  }
0x25c: {  	v5 =	vld [tilespmem:s1+$0x0]  }
0x25d: {  	v6 =	vld [tilespmem:s1+$0xFFFFFFF0]  }
0x25e: {  	v7 =	vld [tilespmem:s25+$0xFFFFFFF0]  }
0x25f: {  	s2 =	simm.s32 $0x1C160  }
0x260: {  	s11 =	simm.s32 $0x1C360;
	v2 =	vld [tilespmem:s2+$0xFFFFFFF0]  }
0x261: {  	v3 =	vld [tilespmem:s11+$0x0];
	v8 =	vadd.f32 v4, v5  }
0x262: {  	v4 =	vld [tilespmem:s2+$0x0]  }
0x263: {  	s20 =	simm.s32 $0x2;
	v6 =	vadd.f32 v7, v6;
	v5 =	vld [tilespmem:s11+$0xFFFFFFF0];
	[tilespmem:s1+$0x0] =	vst v8  }
.LBB2_40:
0x264: {  	s20 =	sadd.s32 $0x2, s20  }
0x265: {  	[tilespmem:s1+$0xFFFFFFF0] =	vst v6;
	s1 =	smov.u32 s2;
	p2 =	slt.u32 s20, $0x1E  }
.Ltmp23:
0x266: {  	s2 =	sadd.s32 $0x20, s2;
	v6 =	vmov v2;
	(pc) =	sbr.rel @p2 .LBB2_40-.Ltmp23, $4  }
0x267: {  	s11 =	sadd.s32 $0x20, s11;
	v2 =	vld [tilespmem:s2+$0xFFFFFFF0]  }
0x268: {  	v7 =	vadd.f32 v3, v4;
	v3 =	vld [tilespmem:s11+$0x0]  }
0x269: {  	v4 =	vld [tilespmem:s2+$0x0];
	v6 =	vadd.f32 v5, v6  }
0x26a: {  	v5 =	vld [tilespmem:s11+$0xFFFFFFF0];
	[tilespmem:s1+$0x0] =	vst v7  }
0x26b: {  	_ =	sdelay $0x2  }
0x26c: {  	v3 =	vadd.f32 v3, v4  }
0x26d: {  	[tilespmem:s1+$0xFFFFFFF0] =	vst v6;
	v2 =	vadd.f32 v5, v2  }
0x26e: {  	[tilespmem:s2+$0x0] =	vst v3  }
.Ltmp24:
0x26f: {  	s25 =	rddreg [dreg:$0x1];
	[tilespmem:s2+$0xFFFFFFF0] =	vst v2;
	(pc) =	sbr.rel .LBB2_42-.Ltmp24, $4  }
0x270: {  	[hbm4b:s25+s3] =	stream.linear.scatter [tilespmem:s30], [sflag:$0x1], $0x200, $0x38;
	[tilespmem:$0x1E4F0] =	vst v63  }
0x271: {  	_ =	swait.ge [sflag:s16], $0x200  }
0x272: {  	[sflag:s16] =	ssyncset.done $0x0  }
0x273: {  	[sflag:s16] =	ssyncadd.s32 $0xFFFFFE00  }
.LBB2_15:
.Ltmp25:
0x274: {  	(pc) =	sbr.rel .LBB2_19-.Ltmp25, $2  }
0x275: {  	_ =	sdelay $0x2  }
0x276: {  	s2 =	simm.s32 $0x15900  }
.LBB2_17:
.Ltmp26:
0x277: {  	(pc) =	sbr.rel .LBB2_19-.Ltmp26, $2  }
0x278: {  	_ =	sdelay $0x2  }
0x279: {  	s2 =	simm.s32 $0x15900  }
.LBB2_30:
.Ltmp27:
0x27a: {  	(pc) =	sbr.rel .LBB2_33-.Ltmp27, $2  }
0x27b: {  	_ =	sdelay $0x2  }
0x27c: {  	s20 =	simm.s32 $0x0;
	s1 =	simm.s32 $0x10  }
.LBB2_43:
0x27d: {  	_ =	sfence.sel $0x180000  }
0x27e: {  	[bflag:$0x0] =	sbarrier.arrive $0xFFFF  }
0x27f: {  	_ =	strace $0x90000047  }
0x280: {  	s0 =	stileid.u32;
	[bflag:$0x2] =	sbarrier.arrive $0xFFFF  }
0x281: {  	p0 =	sne.s32 s0, $0x0;
	s0 =	rddreg [dreg:$0x4]  }
0x282: {  	s0 =	sadd.s32 @!p0 $0x100000, s0  }
0x283: {  	[sflag:s0] =	ssyncadd.tile.s32 @!p0 $0x1;
	_ =	shalt  }
.Lfunc_end2:
_tile_overlayer_lowered:
.L_overlay_start_2:
0x284: {  	(tag) =	ssettag $0x2  }
0x285: {  	s0 =	rddreg [dreg:$0x0];
	s2 =	stileid.u32  }
0x286: {  	s1 =	rddreg [dreg:$0x1];
	p0 =	sne.s32 s2, $0x0  }
0x287: {  	s3 =	rddreg [dreg:$0x2];
	[bflag:$0x3] =	sbarrier.arrive $0xFFFF;
	s2 =	simm.s32 @!p0 $0x1C01  }
0x288: {  	[timem:s3], [sflag:s2] =	dma.local @!p0 [hbm:s0], s1  }
0x289: {  	s0 =	simm.s32 @!p0 $0x1  }
0x28a: {  	_ =	swait.ge @!p0 [sflag:s0], s1  }
0x28b: {  	s1 =	ssub.s32 @!p0 $0x0, s1;
	[sflag:s0] =	ssyncset.done @!p0 $0x0  }
0x28c: {  	[sflag:s0] =	ssyncadd.s32 @!p0 s1  }
0x28d: {  	[bflag:$0x3] =	sbarrier.arrive $0xFFFF  }
0x28e: {  	_ =	shalt  }

</sc_bundles>
